<compile_context>
chip_gen: v7x
topology: tpu7x:2x2x1
jax: 0.10.2.dev20260603
libtpu: 0.0.44.dev20260713+nightly
codegen_flags: <defaults>
</compile_context>

<pallas_src>
import functools

import jax
import jax.numpy as jnp
from jax import lax
from jax.experimental import pallas as pl
from jax.experimental.pallas import tpu as pltpu
from jax.experimental.pallas import tpu_sc as plsc

D = 128
NC = 2
NS = 16
NW = NC * NS
BLK = 2048

H1 = 16384
H2 = 17920
GC1 = 128
GC2 = 112


def _make_gather(rows: int, chunk: int):
    assert rows % (NW * chunk) == 0 and chunk % 8 == 0 and chunk <= 128
    per_w = rows // NW
    n = per_w // chunk
    mesh = plsc.VectorSubcoreMesh(core_axis_name="c", subcore_axis_name="s")

    @functools.partial(
        pl.kernel,
        mesh=mesh,
        out_type=jax.ShapeDtypeStruct((rows, D), jnp.float32),
        scratch_types=[
            pltpu.VMEM((per_w,), jnp.int32),
            [pltpu.VMEM((chunk, D), jnp.float32) for _ in range(n)],
            [pltpu.SemaphoreType.DMA for _ in range(n)],
            [pltpu.SemaphoreType.DMA for _ in range(n)],
        ],
    )
    def gather_kernel(table_hbm, ids_hbm, out_hbm, idx_v, bufs, gsem, wsem):
        wid = lax.axis_index("s") * NC + lax.axis_index("c")
        base = wid * per_w
        pltpu.sync_copy(ids_hbm.at[pl.ds(pl.multiple_of(base, 8), per_w)],
                        idx_v)
        gd = [pltpu.async_copy(
                  table_hbm.at[idx_v.at[pl.ds(k * chunk, chunk)]],
                  bufs[k], gsem[k]) for k in range(n)]
        wbd = []
        for k in range(n):
            gd[k].wait()
            off = pl.multiple_of(base + k * chunk, 8)
            wbd.append(pltpu.async_copy(
                bufs[k], out_hbm.at[pl.ds(off, chunk), :], wsem[k]))
        for k in range(n):
            wbd[k].wait()

    return gather_kernel


def _pass_a_body(tok0, g_ref, eat_ref, lo_ref, hi_ref, s_ref, den_ref):
    i = pl.program_id(0)
    f32 = jnp.float32
    B = lo_ref.shape[1]
    emb = g_ref[...]
    s = jnp.exp(jnp.dot(emb, eat_ref[...], preferred_element_type=f32))
    s_ref[...] = s
    pos = lax.broadcasted_iota(jnp.int32, (BLK, B), 0) + tok0 + i * BLK
    onehot = jnp.logical_and(pos >= lo_ref[...], pos < hi_ref[...]).astype(f32)
    part = lax.dot_general(onehot, s, (((0,), (0,)), ((), ())),
                           preferred_element_type=f32)

    @pl.when(i == 0)
    def _():
        den_ref[...] = part

    @pl.when(i > 0)
    def _():
        den_ref[...] += part


def _pass_b_body(tok0, final, g_ref, ht_ref, htt_ref, nhnt_ref, sel_ref,
                 s_ref, den1_ref, den2_ref, lo_ref, hi_ref, lo_col_ref,
                 hi_col_ref, wcat_ref, bias_ref, accin_ref, out_ref,
                 acc_scr):
    f32 = jnp.float32
    i = pl.program_id(0)
    nblk = pl.num_programs(0)
    B = lo_ref.shape[1]

    emb = g_ref[...]
    s = s_ref[...]
    pos = lax.broadcasted_iota(jnp.int32, (BLK, B), 0) + tok0 + i * BLK
    onehot = jnp.logical_and(pos >= lo_ref[...], pos < hi_ref[...]).astype(f32)
    den_col = den1_ref[...] + den2_ref[...]
    att = s / jnp.dot(onehot, den_col, preferred_element_type=f32)
    hd = jnp.dot(emb, htt_ref[...], preferred_element_type=f32)
    oh2 = jnp.concatenate([onehot, onehot], axis=1)
    nums = jnp.dot(hd * oh2, sel_ref[...],
                   preferred_element_type=f32)
    nrm2 = jnp.dot(onehot, nhnt_ref[...],
                   preferred_element_type=f32)
    en = jnp.sqrt(jnp.dot(emb * emb, jnp.ones((D, 1), f32),
                          preferred_element_type=f32))
    sims = nums / (en * jnp.sqrt(nrm2) + 1e-8)
    dist = (1.0 - 0.5 * (sims[:, 0:1] + sims[:, 1:2])) * 0.5
    x = jnp.dot(emb, wcat_ref[...], preferred_element_type=f32)
    c = jnp.maximum(dist * x[:, :D] + att * x[:, D:] + bias_ref[...], 0.0)
    part = lax.dot_general(onehot, c, (((0,), (0,)), ((), ())),
                           preferred_element_type=f32)

    @pl.when(i == 0)
    def _():
        acc_scr[...] = part + accin_ref[...]

    @pl.when(i > 0)
    def _():
        acc_scr[...] += part

    @pl.when(i == nblk - 1)
    def _():
        if final:
            counts = (hi_col_ref[...] - lo_col_ref[...]).astype(f32)
            out_ref[...] = (acc_scr[...] * 0.001 / jnp.maximum(counts, 1.0)
                            + ht_ref[B:2 * B, :] - ht_ref[0:B, :])
        else:
            out_ref[...] = acc_scr[...]


def kernel(table, w_d_w, w_d_b, w_e_w, w_e_b, eat_w, eat_b,
           flat_ids, cu_seqlens, head_ids, tail_ids):
    T = flat_ids.shape[0]
    B = head_ids.shape[0]
    f32 = jnp.float32
    assert H1 % BLK == 0 and (T - H1) % BLK == 0 and H1 + H2 >= T + 2 * B

    ids_all = jnp.concatenate([
        flat_ids.astype(jnp.int32),
        head_ids.astype(jnp.int32),
        tail_ids.astype(jnp.int32),
        jnp.arange(H1 + H2 - T - 2 * B, dtype=jnp.int32),
    ])

    g1 = _make_gather(H1, GC1)(table, ids_all[:H1])
    g2 = _make_gather(H2, GC2)(table, ids_all[H1:])

    cu = cu_seqlens.astype(jnp.int32)
    lo = cu[:B].reshape(1, B)
    hi = cu[1:B + 1].reshape(1, B)
    lo_col = cu[:B].reshape(B, 1)
    hi_col = cu[1:B + 1].reshape(B, 1)
    bias = (w_d_b + w_e_b).reshape(1, D)
    wcat = jnp.concatenate([w_d_w, w_e_w], axis=1)

    n1 = H1 // BLK
    n2 = (T - H1) // BLK
    row_spec = pl.BlockSpec((1, B), lambda i: (0, 0))
    full = lambda shape: pl.BlockSpec(shape, lambda i: (0, 0))

    def pass_a(g, nblk, tok0):
        return pl.pallas_call(
            functools.partial(_pass_a_body, tok0),
            grid=(nblk,),
            in_specs=[
                pl.BlockSpec((BLK, D), lambda i: (i, 0)),
                full((D, 1)), row_spec, row_spec,
            ],
            out_specs=[pl.BlockSpec((BLK, 1), lambda i: (i, 0)),
                       full((B, 1))],
            out_shape=[jax.ShapeDtypeStruct((nblk * BLK, 1), f32),
                       jax.ShapeDtypeStruct((B, 1), f32)],
        )(g, eat_w, lo, hi)

    s1, den1_col = pass_a(g1, n1, 0)
    s2, den2_col = pass_a(g2, n2, H1)

    ht_rows = lax.slice(g2, (T - H1, 0), (T - H1 + 2 * B, D))
    htt = ht_rows.T
    nh_nt = jnp.sum(ht_rows * ht_rows, axis=1).reshape(2, B).T
    sel = jnp.concatenate([
        jnp.concatenate([jnp.ones((B, 1), f32), jnp.zeros((B, 1), f32)], 1),
        jnp.concatenate([jnp.zeros((B, 1), f32), jnp.ones((B, 1), f32)], 1),
    ], 0)

    ht_spec = pl.BlockSpec((2 * B, D), lambda i: ((T - H1) // (2 * B), 0))

    def pass_b(g, s, nblk, tok0, accin, final):
        return pl.pallas_call(
            functools.partial(_pass_b_body, tok0, final),
            grid=(nblk,),
            in_specs=[
                pl.BlockSpec((BLK, D), lambda i: (i, 0)),
                ht_spec,
                full((D, 2 * B)), full((B, 2)),
                full((2 * B, 2)),
                pl.BlockSpec((BLK, 1), lambda i: (i, 0)),
                full((B, 1)), full((B, 1)),
                row_spec, row_spec,
                full((B, 1)), full((B, 1)),
                full((D, 2 * D)),
                full((1, D)),
                full((B, D)),
            ],
            out_specs=pl.BlockSpec((B, D), lambda i: (0, 0)),
            out_shape=jax.ShapeDtypeStruct((B, D), f32),
            scratch_shapes=[pltpu.VMEM((B, D), f32)],
        )(g, g2, htt, nh_nt, sel, s, den1_col, den2_col, lo, hi, lo_col,
          hi_col, wcat, bias, accin)

    acc1 = pass_b(g1, s1, n1, 0, jnp.zeros((B, D), f32), False)
    out = pass_b(g2, s2, n2, H1, acc1, True)
    return out

# --- scband reference (transcript-rebuilt; emitter-appended) ---
"""Pipeline reference for scband-embed-matcher-lstmae-26843545600085 (READ-ONLY COPY).

The authoritative reference and input builder live on the scoring server;
editing this copy changes nothing except your own understanding.
"""

import jax, jax.numpy as jnp
import numpy as np

NUM_SYMBOLS = 100000
EMBED_DIM = 128
B = 16
TOTAL = 32768


def setup_inputs(seed: int = 0) -> dict:
    key = jax.random.key(seed)
    ks = jax.random.split(key, 10)
    flat_ids = jax.random.randint(ks[0], (TOTAL,), 0, NUM_SYMBOLS)
    inner = jnp.sort(jax.random.randint(ks[1], (B - 1,), 0, TOTAL)).astype(jnp.int32)
    cu_seqlens = jnp.concatenate([jnp.array([0], dtype=jnp.int32), inner, jnp.array([TOTAL], dtype=jnp.int32)])
    head_ids = jax.random.randint(ks[2], (B,), 0, NUM_SYMBOLS)
    tail_ids = jax.random.randint(ks[3], (B,), 0, NUM_SYMBOLS)
    table = jax.random.normal(ks[4], (NUM_SYMBOLS, EMBED_DIM), dtype=jnp.float32) * 0.02
    scale = 1.0 / np.sqrt(EMBED_DIM)
    w_d_w = jax.random.normal(ks[5], (EMBED_DIM, EMBED_DIM), dtype=jnp.float32) * scale
    w_d_b = jnp.zeros((EMBED_DIM,), dtype=jnp.float32)
    w_e_w = jax.random.normal(ks[6], (EMBED_DIM, EMBED_DIM), dtype=jnp.float32) * scale
    w_e_b = jnp.zeros((EMBED_DIM,), dtype=jnp.float32)
    eat_w = jax.random.normal(ks[7], (EMBED_DIM, 1), dtype=jnp.float32) * scale
    eat_b = jnp.zeros((1,), dtype=jnp.float32)
    return {
        "table": table, "w_d_w": w_d_w, "w_d_b": w_d_b,
        "w_e_w": w_e_w, "w_e_b": w_e_b, "eat_w": eat_w, "eat_b": eat_b,
        "flat_ids": flat_ids, "cu_seqlens": cu_seqlens,
        "head_ids": head_ids, "tail_ids": tail_ids,
    }


def _cos(a, b):
    na = jnp.linalg.norm(a, axis=-1)
    nb = jnp.linalg.norm(b, axis=-1)
    return jnp.sum(a * b, axis=-1) / (na * nb + 1e-8)


def reference(table, w_d_w, w_d_b, w_e_w, w_e_b, eat_w, eat_b,
              flat_ids, cu_seqlens, head_ids, tail_ids):
    T = flat_ids.shape[0]
    Bn = head_ids.shape[0]
    # ragged segment ids from cu_seqlens
    seg = jnp.searchsorted(cu_seqlens, jnp.arange(T), side="right") - 1
    seg = jnp.clip(seg, 0, Bn - 1)
    # memory-bound embedding gathers (symbol_emb lookups in GRUS)
    emb = jnp.take(table, flat_ids, axis=0)            # [T, D]
    head_e = jnp.take(table, head_ids, axis=0)          # [B, D]
    tail_e = jnp.take(table, tail_ids, axis=0)          # [B, D]
    t_h = tail_e - head_e                               # tail - head embedding
    # attention scores e_at_u with per-segment softmax normalization (exp/sum_exp)
    s = jnp.exp(emb @ eat_w + eat_b)                    # [T, 1]
    denom = jax.ops.segment_sum(s, seg, num_segments=Bn)  # [B, 1]
    att = s / jnp.take(denom, seg, axis=0)              # [T, 1]
    # cosine-similarity based distance weighting (head/tail vs path tokens)
    sim_h = _cos(emb, jnp.take(head_e, seg, axis=0))
    sim_t = _cos(emb, jnp.take(tail_e, seg, axis=0))
    sim = (sim_h + sim_t) / 2.0
    dist = (1.0 - sim) / 2.0
    d_out = (emb * dist[:, None]) @ w_d_w + w_d_b       # w_d branch
    e_out = (emb * att) @ w_e_w + w_e_b                 # w_e branch
    c = jax.nn.relu(d_out + e_out) * 0.001              # cost path emb
    counts = jax.ops.segment_sum(jnp.ones((T,), dtype=jnp.float32), seg, num_segments=Bn)
    pooled = jax.ops.segment_sum(c, seg, num_segments=Bn) / jnp.maximum(counts, 1.0)[:, None]
    out = pooled + t_h                                  # [B, D]
    return out

if __name__ == "__main__":
    import jax
    _d = setup_inputs()
    print(jax.jit(kernel)(*tuple(_d.values())))

</pallas_src>

<mosaic_0001>
#map = affine_map<(d0, d1) -> (0, 0)>
#map1 = affine_map<(d0, d1) -> (0)>
module attributes {stable_mosaic.version = 14 : i64} {
  func.func @gather_kernel(%arg0: i32, %arg1: i32, %arg2: memref<100000x128xf32, #tpu.memory_space<hbm>>, %arg3: memref<16384xi32, #tpu.memory_space<hbm>>, %arg4: memref<16384x128xf32, #tpu.memory_space<hbm>>, %arg5: memref<512xi32, #tpu.memory_space<vmem>>, %arg6: memref<128x128xf32, #tpu.memory_space<vmem>>, %arg7: memref<128x128xf32, #tpu.memory_space<vmem>>, %arg8: memref<128x128xf32, #tpu.memory_space<vmem>>, %arg9: memref<128x128xf32, #tpu.memory_space<vmem>>, %arg10: memref<!tpu.dma_semaphore, #tpu.memory_space<semaphore_mem>>, %arg11: memref<!tpu.dma_semaphore, #tpu.memory_space<semaphore_mem>>, %arg12: memref<!tpu.dma_semaphore, #tpu.memory_space<semaphore_mem>>, %arg13: memref<!tpu.dma_semaphore, #tpu.memory_space<semaphore_mem>>, %arg14: memref<!tpu.dma_semaphore, #tpu.memory_space<semaphore_mem>>, %arg15: memref<!tpu.dma_semaphore, #tpu.memory_space<semaphore_mem>>, %arg16: memref<!tpu.dma_semaphore, #tpu.memory_space<semaphore_mem>>, %arg17: memref<!tpu.dma_semaphore, #tpu.memory_space<semaphore_mem>>) attributes {dimension_semantics = [#tpu.dimension_semantics<core_parallel>, #tpu.dimension_semantics<subcore_parallel>], iteration_bounds = array<i64: 2, 16>, scalar_prefetch = 0 : i64, scratch_operands = 13 : i64, tpu.core_type = #tpu.core_type<sc_vector_subcore>, window_params = [{transform_indices = #map}, {transform_indices = #map1}, {transform_indices = #map}]} {
    %mul3A = arith.constant 2 : i32
    %mul3A_0 = arith.muli %arg1, %mul3A : i32
    %add3A = arith.addi %mul3A_0, %arg0 : i32
    %mul3A_1 = arith.constant 512 : i32
    %mul3A_2 = arith.muli %add3A, %mul3A_1 : i32
    %multiple_of3A = tpu.assume_multiple %mul3A_2, 8 : i32
    "tpu.region"() ({
      %run_scoped3A = tpu.sem_alloc : memref<!tpu.dma_semaphore, #tpu.memory_space<semaphore_mem>>
      %dma_start3A_85 = tpu.memref_slice %arg3[%multiple_of3A] : memref<16384xi32, #tpu.memory_space<hbm>> -> memref<512xi32, #tpu.memory_space<hbm>>
      %dma_start3A_86 = tpu.memref_slice %arg3[%multiple_of3A] : memref<16384xi32, #tpu.memory_space<hbm>> -> memref<512xi32, #tpu.memory_space<hbm>>
      tpu.enqueue_dma source(%dma_start3A_86 : memref<512xi32, #tpu.memory_space<hbm>>) target(%arg5 : memref<512xi32, #tpu.memory_space<vmem>>) target_semaphore(%run_scoped3A : memref<!tpu.dma_semaphore, #tpu.memory_space<semaphore_mem>>)
      %dma_wait3A_87 = tpu.memref_slice %arg3[%multiple_of3A] : memref<16384xi32, #tpu.memory_space<hbm>> -> memref<512xi32, #tpu.memory_space<hbm>>
      %dma_wait3A_88 = tpu.memref_slice %arg3[%multiple_of3A] : memref<16384xi32, #tpu.memory_space<hbm>> -> memref<512xi32, #tpu.memory_space<hbm>>
      tpu.wait_dma2 semaphore(%run_scoped3A : memref<!tpu.dma_semaphore, #tpu.memory_space<semaphore_mem>>) src(%dma_wait3A_88 : memref<512xi32, #tpu.memory_space<hbm>>) dst(%arg5 : memref<512xi32, #tpu.memory_space<vmem>>)
      tpu.yield
    }) : () -> ()
    %dma_start3A = arith.constant 0 : i32
    %dma_start3A_3 = tpu.memref_slice %arg5[%dma_start3A] : memref<512xi32, #tpu.memory_space<vmem>> -> memref<128xi32, #tpu.memory_space<vmem>>
    %dma_start3A_4 = arith.constant 0 : i32
    %dma_start3A_5 = arith.constant 0 : i32
    %dma_start3A_6 = tpu.memref_slice %arg2[%dma_start3A_4, %dma_start3A_5] : memref<100000x128xf32, #tpu.memory_space<hbm>> -> memref<100000x128xf32, #tpu.memory_space<hbm>>
    tpu.enqueue_indirect_dma source(%dma_start3A_6 : memref<100000x128xf32, #tpu.memory_space<hbm>>) target(%arg6 : memref<128x128xf32, #tpu.memory_space<vmem>>) offsets(%dma_start3A_3 : memref<128xi32, #tpu.memory_space<vmem>>) semaphore(%arg10 : memref<!tpu.dma_semaphore, #tpu.memory_space<semaphore_mem>>)
    %dma_start3A_7 = arith.constant 128 : i32
    %dma_start3A_8 = tpu.memref_slice %arg5[%dma_start3A_7] : memref<512xi32, #tpu.memory_space<vmem>> -> memref<128xi32, #tpu.memory_space<vmem>>
    %dma_start3A_9 = arith.constant 0 : i32
    %dma_start3A_10 = arith.constant 0 : i32
    %dma_start3A_11 = tpu.memref_slice %arg2[%dma_start3A_9, %dma_start3A_10] : memref<100000x128xf32, #tpu.memory_space<hbm>> -> memref<100000x128xf32, #tpu.memory_space<hbm>>
    tpu.enqueue_indirect_dma source(%dma_start3A_11 : memref<100000x128xf32, #tpu.memory_space<hbm>>) target(%arg7 : memref<128x128xf32, #tpu.memory_space<vmem>>) offsets(%dma_start3A_8 : memref<128xi32, #tpu.memory_space<vmem>>) semaphore(%arg11 : memref<!tpu.dma_semaphore, #tpu.memory_space<semaphore_mem>>)
    %dma_start3A_12 = arith.constant 256 : i32
    %dma_start3A_13 = tpu.memref_slice %arg5[%dma_start3A_12] : memref<512xi32, #tpu.memory_space<vmem>> -> memref<128xi32, #tpu.memory_space<vmem>>
    %dma_start3A_14 = arith.constant 0 : i32
    %dma_start3A_15 = arith.constant 0 : i32
    %dma_start3A_16 = tpu.memref_slice %arg2[%dma_start3A_14, %dma_start3A_15] : memref<100000x128xf32, #tpu.memory_space<hbm>> -> memref<100000x128xf32, #tpu.memory_space<hbm>>
    tpu.enqueue_indirect_dma source(%dma_start3A_16 : memref<100000x128xf32, #tpu.memory_space<hbm>>) target(%arg8 : memref<128x128xf32, #tpu.memory_space<vmem>>) offsets(%dma_start3A_13 : memref<128xi32, #tpu.memory_space<vmem>>) semaphore(%arg12 : memref<!tpu.dma_semaphore, #tpu.memory_space<semaphore_mem>>)
    %dma_start3A_17 = arith.constant 384 : i32
    %dma_start3A_18 = tpu.memref_slice %arg5[%dma_start3A_17] : memref<512xi32, #tpu.memory_space<vmem>> -> memref<128xi32, #tpu.memory_space<vmem>>
    %dma_start3A_19 = arith.constant 0 : i32
    %dma_start3A_20 = arith.constant 0 : i32
    %dma_start3A_21 = tpu.memref_slice %arg2[%dma_start3A_19, %dma_start3A_20] : memref<100000x128xf32, #tpu.memory_space<hbm>> -> memref<100000x128xf32, #tpu.memory_space<hbm>>
    tpu.enqueue_indirect_dma source(%dma_start3A_21 : memref<100000x128xf32, #tpu.memory_space<hbm>>) target(%arg9 : memref<128x128xf32, #tpu.memory_space<vmem>>) offsets(%dma_start3A_18 : memref<128xi32, #tpu.memory_space<vmem>>) semaphore(%arg13 : memref<!tpu.dma_semaphore, #tpu.memory_space<semaphore_mem>>)
    %dma_wait3A = arith.constant 0 : i32
    %dma_wait3A_22 = tpu.memref_slice %arg5[%dma_wait3A] : memref<512xi32, #tpu.memory_space<vmem>> -> memref<128xi32, #tpu.memory_space<vmem>>
    %dma_wait3A_23 = arith.constant 0 : i32
    %dma_wait3A_24 = arith.constant 0 : i32
    %dma_wait3A_25 = tpu.memref_slice %arg2[%dma_wait3A_23, %dma_wait3A_24] : memref<100000x128xf32, #tpu.memory_space<hbm>> -> memref<100000x128xf32, #tpu.memory_space<hbm>>
    tpu.wait_indirect_dma semaphore(%arg10 : memref<!tpu.dma_semaphore, #tpu.memory_space<semaphore_mem>>) src(%dma_wait3A_25 : memref<100000x128xf32, #tpu.memory_space<hbm>>) dst(%arg6 : memref<128x128xf32, #tpu.memory_space<vmem>>)
    %add3A_26 = arith.constant 0 : i32
    %add3A_27 = arith.addi %mul3A_2, %add3A_26 : i32
    %multiple_of3A_28 = tpu.assume_multiple %add3A_27, 8 : i32
    %dma_start3A_29 = arith.constant 0 : i32
    %dma_start3A_30 = tpu.memref_slice %arg4[%multiple_of3A_28, %dma_start3A_29] : memref<16384x128xf32, #tpu.memory_space<hbm>> -> memref<128x128xf32, #tpu.memory_space<hbm>>
    %dma_start3A_31 = arith.constant 0 : i32
    %dma_start3A_32 = tpu.memref_slice %arg4[%multiple_of3A_28, %dma_start3A_31] : memref<16384x128xf32, #tpu.memory_space<hbm>> -> memref<128x128xf32, #tpu.memory_space<hbm>>
    tpu.enqueue_dma source(%arg6 : memref<128x128xf32, #tpu.memory_space<vmem>>) target(%dma_start3A_32 : memref<128x128xf32, #tpu.memory_space<hbm>>) target_semaphore(%arg14 : memref<!tpu.dma_semaphore, #tpu.memory_space<semaphore_mem>>)
    %dma_wait3A_33 = arith.constant 128 : i32
    %dma_wait3A_34 = tpu.memref_slice %arg5[%dma_wait3A_33] : memref<512xi32, #tpu.memory_space<vmem>> -> memref<128xi32, #tpu.memory_space<vmem>>
    %dma_wait3A_35 = arith.constant 0 : i32
    %dma_wait3A_36 = arith.constant 0 : i32
    %dma_wait3A_37 = tpu.memref_slice %arg2[%dma_wait3A_35, %dma_wait3A_36] : memref<100000x128xf32, #tpu.memory_space<hbm>> -> memref<100000x128xf32, #tpu.memory_space<hbm>>
    tpu.wait_indirect_dma semaphore(%arg11 : memref<!tpu.dma_semaphore, #tpu.memory_space<semaphore_mem>>) src(%dma_wait3A_37 : memref<100000x128xf32, #tpu.memory_space<hbm>>) dst(%arg7 : memref<128x128xf32, #tpu.memory_space<vmem>>)
    %add3A_38 = arith.constant 128 : i32
    %add3A_39 = arith.addi %mul3A_2, %add3A_38 : i32
    %multiple_of3A_40 = tpu.assume_multiple %add3A_39, 8 : i32
    %dma_start3A_41 = arith.constant 0 : i32
    %dma_start3A_42 = tpu.memref_slice %arg4[%multiple_of3A_40, %dma_start3A_41] : memref<16384x128xf32, #tpu.memory_space<hbm>> -> memref<128x128xf32, #tpu.memory_space<hbm>>
    %dma_start3A_43 = arith.constant 0 : i32
    %dma_start3A_44 = tpu.memref_slice %arg4[%multiple_of3A_40, %dma_start3A_43] : memref<16384x128xf32, #tpu.memory_space<hbm>> -> memref<128x128xf32, #tpu.memory_space<hbm>>
    tpu.enqueue_dma source(%arg7 : memref<128x128xf32, #tpu.memory_space<vmem>>) target(%dma_start3A_44 : memref<128x128xf32, #tpu.memory_space<hbm>>) target_semaphore(%arg15 : memref<!tpu.dma_semaphore, #tpu.memory_space<semaphore_mem>>)
    %dma_wait3A_45 = arith.constant 256 : i32
    %dma_wait3A_46 = tpu.memref_slice %arg5[%dma_wait3A_45] : memref<512xi32, #tpu.memory_space<vmem>> -> memref<128xi32, #tpu.memory_space<vmem>>
    %dma_wait3A_47 = arith.constant 0 : i32
    %dma_wait3A_48 = arith.constant 0 : i32
    %dma_wait3A_49 = tpu.memref_slice %arg2[%dma_wait3A_47, %dma_wait3A_48] : memref<100000x128xf32, #tpu.memory_space<hbm>> -> memref<100000x128xf32, #tpu.memory_space<hbm>>
    tpu.wait_indirect_dma semaphore(%arg12 : memref<!tpu.dma_semaphore, #tpu.memory_space<semaphore_mem>>) src(%dma_wait3A_49 : memref<100000x128xf32, #tpu.memory_space<hbm>>) dst(%arg8 : memref<128x128xf32, #tpu.memory_space<vmem>>)
    %add3A_50 = arith.constant 256 : i32
    %add3A_51 = arith.addi %mul3A_2, %add3A_50 : i32
    %multiple_of3A_52 = tpu.assume_multiple %add3A_51, 8 : i32
    %dma_start3A_53 = arith.constant 0 : i32
    %dma_start3A_54 = tpu.memref_slice %arg4[%multiple_of3A_52, %dma_start3A_53] : memref<16384x128xf32, #tpu.memory_space<hbm>> -> memref<128x128xf32, #tpu.memory_space<hbm>>
    %dma_start3A_55 = arith.constant 0 : i32
    %dma_start3A_56 = tpu.memref_slice %arg4[%multiple_of3A_52, %dma_start3A_55] : memref<16384x128xf32, #tpu.memory_space<hbm>> -> memref<128x128xf32, #tpu.memory_space<hbm>>
    tpu.enqueue_dma source(%arg8 : memref<128x128xf32, #tpu.memory_space<vmem>>) target(%dma_start3A_56 : memref<128x128xf32, #tpu.memory_space<hbm>>) target_semaphore(%arg16 : memref<!tpu.dma_semaphore, #tpu.memory_space<semaphore_mem>>)
    %dma_wait3A_57 = arith.constant 384 : i32
    %dma_wait3A_58 = tpu.memref_slice %arg5[%dma_wait3A_57] : memref<512xi32, #tpu.memory_space<vmem>> -> memref<128xi32, #tpu.memory_space<vmem>>
    %dma_wait3A_59 = arith.constant 0 : i32
    %dma_wait3A_60 = arith.constant 0 : i32
    %dma_wait3A_61 = tpu.memref_slice %arg2[%dma_wait3A_59, %dma_wait3A_60] : memref<100000x128xf32, #tpu.memory_space<hbm>> -> memref<100000x128xf32, #tpu.memory_space<hbm>>
    tpu.wait_indirect_dma semaphore(%arg13 : memref<!tpu.dma_semaphore, #tpu.memory_space<semaphore_mem>>) src(%dma_wait3A_61 : memref<100000x128xf32, #tpu.memory_space<hbm>>) dst(%arg9 : memref<128x128xf32, #tpu.memory_space<vmem>>)
    %add3A_62 = arith.constant 384 : i32
    %add3A_63 = arith.addi %mul3A_2, %add3A_62 : i32
    %multiple_of3A_64 = tpu.assume_multiple %add3A_63, 8 : i32
    %dma_start3A_65 = arith.constant 0 : i32
    %dma_start3A_66 = tpu.memref_slice %arg4[%multiple_of3A_64, %dma_start3A_65] : memref<16384x128xf32, #tpu.memory_space<hbm>> -> memref<128x128xf32, #tpu.memory_space<hbm>>
    %dma_start3A_67 = arith.constant 0 : i32
    %dma_start3A_68 = tpu.memref_slice %arg4[%multiple_of3A_64, %dma_start3A_67] : memref<16384x128xf32, #tpu.memory_space<hbm>> -> memref<128x128xf32, #tpu.memory_space<hbm>>
    tpu.enqueue_dma source(%arg9 : memref<128x128xf32, #tpu.memory_space<vmem>>) target(%dma_start3A_68 : memref<128x128xf32, #tpu.memory_space<hbm>>) target_semaphore(%arg17 : memref<!tpu.dma_semaphore, #tpu.memory_space<semaphore_mem>>)
    %dma_wait3A_69 = arith.constant 0 : i32
    %dma_wait3A_70 = tpu.memref_slice %arg4[%multiple_of3A_28, %dma_wait3A_69] : memref<16384x128xf32, #tpu.memory_space<hbm>> -> memref<128x128xf32, #tpu.memory_space<hbm>>
    %dma_wait3A_71 = arith.constant 0 : i32
    %dma_wait3A_72 = tpu.memref_slice %arg4[%multiple_of3A_28, %dma_wait3A_71] : memref<16384x128xf32, #tpu.memory_space<hbm>> -> memref<128x128xf32, #tpu.memory_space<hbm>>
    tpu.wait_dma2 semaphore(%arg14 : memref<!tpu.dma_semaphore, #tpu.memory_space<semaphore_mem>>) src(%arg6 : memref<128x128xf32, #tpu.memory_space<vmem>>) dst(%dma_wait3A_72 : memref<128x128xf32, #tpu.memory_space<hbm>>)
    %dma_wait3A_73 = arith.constant 0 : i32
    %dma_wait3A_74 = tpu.memref_slice %arg4[%multiple_of3A_40, %dma_wait3A_73] : memref<16384x128xf32, #tpu.memory_space<hbm>> -> memref<128x128xf32, #tpu.memory_space<hbm>>
    %dma_wait3A_75 = arith.constant 0 : i32
    %dma_wait3A_76 = tpu.memref_slice %arg4[%multiple_of3A_40, %dma_wait3A_75] : memref<16384x128xf32, #tpu.memory_space<hbm>> -> memref<128x128xf32, #tpu.memory_space<hbm>>
    tpu.wait_dma2 semaphore(%arg15 : memref<!tpu.dma_semaphore, #tpu.memory_space<semaphore_mem>>) src(%arg7 : memref<128x128xf32, #tpu.memory_space<vmem>>) dst(%dma_wait3A_76 : memref<128x128xf32, #tpu.memory_space<hbm>>)
    %dma_wait3A_77 = arith.constant 0 : i32
    %dma_wait3A_78 = tpu.memref_slice %arg4[%multiple_of3A_52, %dma_wait3A_77] : memref<16384x128xf32, #tpu.memory_space<hbm>> -> memref<128x128xf32, #tpu.memory_space<hbm>>
    %dma_wait3A_79 = arith.constant 0 : i32
    %dma_wait3A_80 = tpu.memref_slice %arg4[%multiple_of3A_52, %dma_wait3A_79] : memref<16384x128xf32, #tpu.memory_space<hbm>> -> memref<128x128xf32, #tpu.memory_space<hbm>>
    tpu.wait_dma2 semaphore(%arg16 : memref<!tpu.dma_semaphore, #tpu.memory_space<semaphore_mem>>) src(%arg8 : memref<128x128xf32, #tpu.memory_space<vmem>>) dst(%dma_wait3A_80 : memref<128x128xf32, #tpu.memory_space<hbm>>)
    %dma_wait3A_81 = arith.constant 0 : i32
    %dma_wait3A_82 = tpu.memref_slice %arg4[%multiple_of3A_64, %dma_wait3A_81] : memref<16384x128xf32, #tpu.memory_space<hbm>> -> memref<128x128xf32, #tpu.memory_space<hbm>>
    %dma_wait3A_83 = arith.constant 0 : i32
    %dma_wait3A_84 = tpu.memref_slice %arg4[%multiple_of3A_64, %dma_wait3A_83] : memref<16384x128xf32, #tpu.memory_space<hbm>> -> memref<128x128xf32, #tpu.memory_space<hbm>>
    tpu.wait_dma2 semaphore(%arg17 : memref<!tpu.dma_semaphore, #tpu.memory_space<semaphore_mem>>) src(%arg9 : memref<128x128xf32, #tpu.memory_space<vmem>>) dst(%dma_wait3A_84 : memref<128x128xf32, #tpu.memory_space<hbm>>)
    return
  }
}

#map = affine_map<(d0, d1) -> (0, 0)>
#map1 = affine_map<(d0, d1) -> (0)>
module attributes {stable_mosaic.version = 14 : i64} {
  func.func @gather_kernel(%arg0: i32, %arg1: i32, %arg2: memref<100000x128xf32, #tpu.memory_space<hbm>>, %arg3: memref<17920xi32, #tpu.memory_space<hbm>>, %arg4: memref<17920x128xf32, #tpu.memory_space<hbm>>, %arg5: memref<560xi32, #tpu.memory_space<vmem>>, %arg6: memref<112x128xf32, #tpu.memory_space<vmem>>, %arg7: memref<112x128xf32, #tpu.memory_space<vmem>>, %arg8: memref<112x128xf32, #tpu.memory_space<vmem>>, %arg9: memref<112x128xf32, #tpu.memory_space<vmem>>, %arg10: memref<112x128xf32, #tpu.memory_space<vmem>>, %arg11: memref<!tpu.dma_semaphore, #tpu.memory_space<semaphore_mem>>, %arg12: memref<!tpu.dma_semaphore, #tpu.memory_space<semaphore_mem>>, %arg13: memref<!tpu.dma_semaphore, #tpu.memory_space<semaphore_mem>>, %arg14: memref<!tpu.dma_semaphore, #tpu.memory_space<semaphore_mem>>, %arg15: memref<!tpu.dma_semaphore, #tpu.memory_space<semaphore_mem>>, %arg16: memref<!tpu.dma_semaphore, #tpu.memory_space<semaphore_mem>>, %arg17: memref<!tpu.dma_semaphore, #tpu.memory_space<semaphore_mem>>, %arg18: memref<!tpu.dma_semaphore, #tpu.memory_space<semaphore_mem>>, %arg19: memref<!tpu.dma_semaphore, #tpu.memory_space<semaphore_mem>>, %arg20: memref<!tpu.dma_semaphore, #tpu.memory_space<semaphore_mem>>) attributes {dimension_semantics = [#tpu.dimension_semantics<core_parallel>, #tpu.dimension_semantics<subcore_parallel>], iteration_bounds = array<i64: 2, 16>, scalar_prefetch = 0 : i64, scratch_operands = 16 : i64, tpu.core_type = #tpu.core_type<sc_vector_subcore>, window_params = [{transform_indices = #map}, {transform_indices = #map1}, {transform_indices = #map}]} {
    %mul3A = arith.constant 2 : i32
    %mul3A_0 = arith.muli %arg1, %mul3A : i32
    %add3A = arith.addi %mul3A_0, %arg0 : i32
    %mul3A_1 = arith.constant 560 : i32
    %mul3A_2 = arith.muli %add3A, %mul3A_1 : i32
    %multiple_of3A = tpu.assume_multiple %mul3A_2, 8 : i32
    "tpu.region"() ({
      %run_scoped3A = tpu.sem_alloc : memref<!tpu.dma_semaphore, #tpu.memory_space<semaphore_mem>>
      %dma_start3A_106 = tpu.memref_slice %arg3[%multiple_of3A] : memref<17920xi32, #tpu.memory_space<hbm>> -> memref<560xi32, #tpu.memory_space<hbm>>
      %dma_start3A_107 = tpu.memref_slice %arg3[%multiple_of3A] : memref<17920xi32, #tpu.memory_space<hbm>> -> memref<560xi32, #tpu.memory_space<hbm>>
      tpu.enqueue_dma source(%dma_start3A_107 : memref<560xi32, #tpu.memory_space<hbm>>) target(%arg5 : memref<560xi32, #tpu.memory_space<vmem>>) target_semaphore(%run_scoped3A : memref<!tpu.dma_semaphore, #tpu.memory_space<semaphore_mem>>)
      %dma_wait3A_108 = tpu.memref_slice %arg3[%multiple_of3A] : memref<17920xi32, #tpu.memory_space<hbm>> -> memref<560xi32, #tpu.memory_space<hbm>>
      %dma_wait3A_109 = tpu.memref_slice %arg3[%multiple_of3A] : memref<17920xi32, #tpu.memory_space<hbm>> -> memref<560xi32, #tpu.memory_space<hbm>>
      tpu.wait_dma2 semaphore(%run_scoped3A : memref<!tpu.dma_semaphore, #tpu.memory_space<semaphore_mem>>) src(%dma_wait3A_109 : memref<560xi32, #tpu.memory_space<hbm>>) dst(%arg5 : memref<560xi32, #tpu.memory_space<vmem>>)
      tpu.yield
    }) : () -> ()
    %dma_start3A = arith.constant 0 : i32
    %dma_start3A_3 = tpu.memref_slice %arg5[%dma_start3A] : memref<560xi32, #tpu.memory_space<vmem>> -> memref<112xi32, #tpu.memory_space<vmem>>
    %dma_start3A_4 = arith.constant 0 : i32
    %dma_start3A_5 = arith.constant 0 : i32
    %dma_start3A_6 = tpu.memref_slice %arg2[%dma_start3A_4, %dma_start3A_5] : memref<100000x128xf32, #tpu.memory_space<hbm>> -> memref<100000x128xf32, #tpu.memory_space<hbm>>
    tpu.enqueue_indirect_dma source(%dma_start3A_6 : memref<100000x128xf32, #tpu.memory_space<hbm>>) target(%arg6 : memref<112x128xf32, #tpu.memory_space<vmem>>) offsets(%dma_start3A_3 : memref<112xi32, #tpu.memory_space<vmem>>) semaphore(%arg11 : memref<!tpu.dma_semaphore, #tpu.memory_space<semaphore_mem>>)
    %dma_start3A_7 = arith.constant 112 : i32
    %dma_start3A_8 = tpu.memref_slice %arg5[%dma_start3A_7] : memref<560xi32, #tpu.memory_space<vmem>> -> memref<112xi32, #tpu.memory_space<vmem>>
    %dma_start3A_9 = arith.constant 0 : i32
    %dma_start3A_10 = arith.constant 0 : i32
    %dma_start3A_11 = tpu.memref_slice %arg2[%dma_start3A_9, %dma_start3A_10] : memref<100000x128xf32, #tpu.memory_space<hbm>> -> memref<100000x128xf32, #tpu.memory_space<hbm>>
    tpu.enqueue_indirect_dma source(%dma_start3A_11 : memref<100000x128xf32, #tpu.memory_space<hbm>>) target(%arg7 : memref<112x128xf32, #tpu.memory_space<vmem>>) offsets(%dma_start3A_8 : memref<112xi32, #tpu.memory_space<vmem>>) semaphore(%arg12 : memref<!tpu.dma_semaphore, #tpu.memory_space<semaphore_mem>>)
    %dma_start3A_12 = arith.constant 224 : i32
    %dma_start3A_13 = tpu.memref_slice %arg5[%dma_start3A_12] : memref<560xi32, #tpu.memory_space<vmem>> -> memref<112xi32, #tpu.memory_space<vmem>>
    %dma_start3A_14 = arith.constant 0 : i32
    %dma_start3A_15 = arith.constant 0 : i32
    %dma_start3A_16 = tpu.memref_slice %arg2[%dma_start3A_14, %dma_start3A_15] : memref<100000x128xf32, #tpu.memory_space<hbm>> -> memref<100000x128xf32, #tpu.memory_space<hbm>>
    tpu.enqueue_indirect_dma source(%dma_start3A_16 : memref<100000x128xf32, #tpu.memory_space<hbm>>) target(%arg8 : memref<112x128xf32, #tpu.memory_space<vmem>>) offsets(%dma_start3A_13 : memref<112xi32, #tpu.memory_space<vmem>>) semaphore(%arg13 : memref<!tpu.dma_semaphore, #tpu.memory_space<semaphore_mem>>)
    %dma_start3A_17 = arith.constant 336 : i32
    %dma_start3A_18 = tpu.memref_slice %arg5[%dma_start3A_17] : memref<560xi32, #tpu.memory_space<vmem>> -> memref<112xi32, #tpu.memory_space<vmem>>
    %dma_start3A_19 = arith.constant 0 : i32
    %dma_start3A_20 = arith.constant 0 : i32
    %dma_start3A_21 = tpu.memref_slice %arg2[%dma_start3A_19, %dma_start3A_20] : memref<100000x128xf32, #tpu.memory_space<hbm>> -> memref<100000x128xf32, #tpu.memory_space<hbm>>
    tpu.enqueue_indirect_dma source(%dma_start3A_21 : memref<100000x128xf32, #tpu.memory_space<hbm>>) target(%arg9 : memref<112x128xf32, #tpu.memory_space<vmem>>) offsets(%dma_start3A_18 : memref<112xi32, #tpu.memory_space<vmem>>) semaphore(%arg14 : memref<!tpu.dma_semaphore, #tpu.memory_space<semaphore_mem>>)
    %dma_start3A_22 = arith.constant 448 : i32
    %dma_start3A_23 = tpu.memref_slice %arg5[%dma_start3A_22] : memref<560xi32, #tpu.memory_space<vmem>> -> memref<112xi32, #tpu.memory_space<vmem>>
    %dma_start3A_24 = arith.constant 0 : i32
    %dma_start3A_25 = arith.constant 0 : i32
    %dma_start3A_26 = tpu.memref_slice %arg2[%dma_start3A_24, %dma_start3A_25] : memref<100000x128xf32, #tpu.memory_space<hbm>> -> memref<100000x128xf32, #tpu.memory_space<hbm>>
    tpu.enqueue_indirect_dma source(%dma_start3A_26 : memref<100000x128xf32, #tpu.memory_space<hbm>>) target(%arg10 : memref<112x128xf32, #tpu.memory_space<vmem>>) offsets(%dma_start3A_23 : memref<112xi32, #tpu.memory_space<vmem>>) semaphore(%arg15 : memref<!tpu.dma_semaphore, #tpu.memory_space<semaphore_mem>>)
    %dma_wait3A = arith.constant 0 : i32
    %dma_wait3A_27 = tpu.memref_slice %arg5[%dma_wait3A] : memref<560xi32, #tpu.memory_space<vmem>> -> memref<112xi32, #tpu.memory_space<vmem>>
    %dma_wait3A_28 = arith.constant 0 : i32
    %dma_wait3A_29 = arith.constant 0 : i32
    %dma_wait3A_30 = tpu.memref_slice %arg2[%dma_wait3A_28, %dma_wait3A_29] : memref<100000x128xf32, #tpu.memory_space<hbm>> -> memref<100000x128xf32, #tpu.memory_space<hbm>>
    tpu.wait_indirect_dma semaphore(%arg11 : memref<!tpu.dma_semaphore, #tpu.memory_space<semaphore_mem>>) src(%dma_wait3A_30 : memref<100000x128xf32, #tpu.memory_space<hbm>>) dst(%arg6 : memref<112x128xf32, #tpu.memory_space<vmem>>)
    %add3A_31 = arith.constant 0 : i32
    %add3A_32 = arith.addi %mul3A_2, %add3A_31 : i32
    %multiple_of3A_33 = tpu.assume_multiple %add3A_32, 8 : i32
    %dma_start3A_34 = arith.constant 0 : i32
    %dma_start3A_35 = tpu.memref_slice %arg4[%multiple_of3A_33, %dma_start3A_34] : memref<17920x128xf32, #tpu.memory_space<hbm>> -> memref<112x128xf32, #tpu.memory_space<hbm>>
    %dma_start3A_36 = arith.constant 0 : i32
    %dma_start3A_37 = tpu.memref_slice %arg4[%multiple_of3A_33, %dma_start3A_36] : memref<17920x128xf32, #tpu.memory_space<hbm>> -> memref<112x128xf32, #tpu.memory_space<hbm>>
    tpu.enqueue_dma source(%arg6 : memref<112x128xf32, #tpu.memory_space<vmem>>) target(%dma_start3A_37 : memref<112x128xf32, #tpu.memory_space<hbm>>) target_semaphore(%arg16 : memref<!tpu.dma_semaphore, #tpu.memory_space<semaphore_mem>>)
    %dma_wait3A_38 = arith.constant 112 : i32
    %dma_wait3A_39 = tpu.memref_slice %arg5[%dma_wait3A_38] : memref<560xi32, #tpu.memory_space<vmem>> -> memref<112xi32, #tpu.memory_space<vmem>>
    %dma_wait3A_40 = arith.constant 0 : i32
    %dma_wait3A_41 = arith.constant 0 : i32
    %dma_wait3A_42 = tpu.memref_slice %arg2[%dma_wait3A_40, %dma_wait3A_41] : memref<100000x128xf32, #tpu.memory_space<hbm>> -> memref<100000x128xf32, #tpu.memory_space<hbm>>
    tpu.wait_indirect_dma semaphore(%arg12 : memref<!tpu.dma_semaphore, #tpu.memory_space<semaphore_mem>>) src(%dma_wait3A_42 : memref<100000x128xf32, #tpu.memory_space<hbm>>) dst(%arg7 : memref<112x128xf32, #tpu.memory_space<vmem>>)
    %add3A_43 = arith.constant 112 : i32
    %add3A_44 = arith.addi %mul3A_2, %add3A_43 : i32
    %multiple_of3A_45 = tpu.assume_multiple %add3A_44, 8 : i32
    %dma_start3A_46 = arith.constant 0 : i32
    %dma_start3A_47 = tpu.memref_slice %arg4[%multiple_of3A_45, %dma_start3A_46] : memref<17920x128xf32, #tpu.memory_space<hbm>> -> memref<112x128xf32, #tpu.memory_space<hbm>>
    %dma_start3A_48 = arith.constant 0 : i32
    %dma_start3A_49 = tpu.memref_slice %arg4[%multiple_of3A_45, %dma_start3A_48] : memref<17920x128xf32, #tpu.memory_space<hbm>> -> memref<112x128xf32, #tpu.memory_space<hbm>>
    tpu.enqueue_dma source(%arg7 : memref<112x128xf32, #tpu.memory_space<vmem>>) target(%dma_start3A_49 : memref<112x128xf32, #tpu.memory_space<hbm>>) target_semaphore(%arg17 : memref<!tpu.dma_semaphore, #tpu.memory_space<semaphore_mem>>)
    %dma_wait3A_50 = arith.constant 224 : i32
    %dma_wait3A_51 = tpu.memref_slice %arg5[%dma_wait3A_50] : memref<560xi32, #tpu.memory_space<vmem>> -> memref<112xi32, #tpu.memory_space<vmem>>
    %dma_wait3A_52 = arith.constant 0 : i32
    %dma_wait3A_53 = arith.constant 0 : i32
    %dma_wait3A_54 = tpu.memref_slice %arg2[%dma_wait3A_52, %dma_wait3A_53] : memref<100000x128xf32, #tpu.memory_space<hbm>> -> memref<100000x128xf32, #tpu.memory_space<hbm>>
    tpu.wait_indirect_dma semaphore(%arg13 : memref<!tpu.dma_semaphore, #tpu.memory_space<semaphore_mem>>) src(%dma_wait3A_54 : memref<100000x128xf32, #tpu.memory_space<hbm>>) dst(%arg8 : memref<112x128xf32, #tpu.memory_space<vmem>>)
    %add3A_55 = arith.constant 224 : i32
    %add3A_56 = arith.addi %mul3A_2, %add3A_55 : i32
    %multiple_of3A_57 = tpu.assume_multiple %add3A_56, 8 : i32
    %dma_start3A_58 = arith.constant 0 : i32
    %dma_start3A_59 = tpu.memref_slice %arg4[%multiple_of3A_57, %dma_start3A_58] : memref<17920x128xf32, #tpu.memory_space<hbm>> -> memref<112x128xf32, #tpu.memory_space<hbm>>
    %dma_start3A_60 = arith.constant 0 : i32
    %dma_start3A_61 = tpu.memref_slice %arg4[%multiple_of3A_57, %dma_start3A_60] : memref<17920x128xf32, #tpu.memory_space<hbm>> -> memref<112x128xf32, #tpu.memory_space<hbm>>
    tpu.enqueue_dma source(%arg8 : memref<112x128xf32, #tpu.memory_space<vmem>>) target(%dma_start3A_61 : memref<112x128xf32, #tpu.memory_space<hbm>>) target_semaphore(%arg18 : memref<!tpu.dma_semaphore, #tpu.memory_space<semaphore_mem>>)
    %dma_wait3A_62 = arith.constant 336 : i32
    %dma_wait3A_63 = tpu.memref_slice %arg5[%dma_wait3A_62] : memref<560xi32, #tpu.memory_space<vmem>> -> memref<112xi32, #tpu.memory_space<vmem>>
    %dma_wait3A_64 = arith.constant 0 : i32
    %dma_wait3A_65 = arith.constant 0 : i32
    %dma_wait3A_66 = tpu.memref_slice %arg2[%dma_wait3A_64, %dma_wait3A_65] : memref<100000x128xf32, #tpu.memory_space<hbm>> -> memref<100000x128xf32, #tpu.memory_space<hbm>>
    tpu.wait_indirect_dma semaphore(%arg14 : memref<!tpu.dma_semaphore, #tpu.memory_space<semaphore_mem>>) src(%dma_wait3A_66 : memref<100000x128xf32, #tpu.memory_space<hbm>>) dst(%arg9 : memref<112x128xf32, #tpu.memory_space<vmem>>)
    %add3A_67 = arith.constant 336 : i32
    %add3A_68 = arith.addi %mul3A_2, %add3A_67 : i32
    %multiple_of3A_69 = tpu.assume_multiple %add3A_68, 8 : i32
    %dma_start3A_70 = arith.constant 0 : i32
    %dma_start3A_71 = tpu.memref_slice %arg4[%multiple_of3A_69, %dma_start3A_70] : memref<17920x128xf32, #tpu.memory_space<hbm>> -> memref<112x128xf32, #tpu.memory_space<hbm>>
    %dma_start3A_72 = arith.constant 0 : i32
    %dma_start3A_73 = tpu.memref_slice %arg4[%multiple_of3A_69, %dma_start3A_72] : memref<17920x128xf32, #tpu.memory_space<hbm>> -> memref<112x128xf32, #tpu.memory_space<hbm>>
    tpu.enqueue_dma source(%arg9 : memref<112x128xf32, #tpu.memory_space<vmem>>) target(%dma_start3A_73 : memref<112x128xf32, #tpu.memory_space<hbm>>) target_semaphore(%arg19 : memref<!tpu.dma_semaphore, #tpu.memory_space<semaphore_mem>>)
    %dma_wait3A_74 = arith.constant 448 : i32
    %dma_wait3A_75 = tpu.memref_slice %arg5[%dma_wait3A_74] : memref<560xi32, #tpu.memory_space<vmem>> -> memref<112xi32, #tpu.memory_space<vmem>>
    %dma_wait3A_76 = arith.constant 0 : i32
    %dma_wait3A_77 = arith.constant 0 : i32
    %dma_wait3A_78 = tpu.memref_slice %arg2[%dma_wait3A_76, %dma_wait3A_77] : memref<100000x128xf32, #tpu.memory_space<hbm>> -> memref<100000x128xf32, #tpu.memory_space<hbm>>
    tpu.wait_indirect_dma semaphore(%arg15 : memref<!tpu.dma_semaphore, #tpu.memory_space<semaphore_mem>>) src(%dma_wait3A_78 : memref<100000x128xf32, #tpu.memory_space<hbm>>) dst(%arg10 : memref<112x128xf32, #tpu.memory_space<vmem>>)
    %add3A_79 = arith.constant 448 : i32
    %add3A_80 = arith.addi %mul3A_2, %add3A_79 : i32
    %multiple_of3A_81 = tpu.assume_multiple %add3A_80, 8 : i32
    %dma_start3A_82 = arith.constant 0 : i32
    %dma_start3A_83 = tpu.memref_slice %arg4[%multiple_of3A_81, %dma_start3A_82] : memref<17920x128xf32, #tpu.memory_space<hbm>> -> memref<112x128xf32, #tpu.memory_space<hbm>>
    %dma_start3A_84 = arith.constant 0 : i32
    %dma_start3A_85 = tpu.memref_slice %arg4[%multiple_of3A_81, %dma_start3A_84] : memref<17920x128xf32, #tpu.memory_space<hbm>> -> memref<112x128xf32, #tpu.memory_space<hbm>>
    tpu.enqueue_dma source(%arg10 : memref<112x128xf32, #tpu.memory_space<vmem>>) target(%dma_start3A_85 : memref<112x128xf32, #tpu.memory_space<hbm>>) target_semaphore(%arg20 : memref<!tpu.dma_semaphore, #tpu.memory_space<semaphore_mem>>)
    %dma_wait3A_86 = arith.constant 0 : i32
    %dma_wait3A_87 = tpu.memref_slice %arg4[%multiple_of3A_33, %dma_wait3A_86] : memref<17920x128xf32, #tpu.memory_space<hbm>> -> memref<112x128xf32, #tpu.memory_space<hbm>>
    %dma_wait3A_88 = arith.constant 0 : i32
    %dma_wait3A_89 = tpu.memref_slice %arg4[%multiple_of3A_33, %dma_wait3A_88] : memref<17920x128xf32, #tpu.memory_space<hbm>> -> memref<112x128xf32, #tpu.memory_space<hbm>>
    tpu.wait_dma2 semaphore(%arg16 : memref<!tpu.dma_semaphore, #tpu.memory_space<semaphore_mem>>) src(%arg6 : memref<112x128xf32, #tpu.memory_space<vmem>>) dst(%dma_wait3A_89 : memref<112x128xf32, #tpu.memory_space<hbm>>)
    %dma_wait3A_90 = arith.constant 0 : i32
    %dma_wait3A_91 = tpu.memref_slice %arg4[%multiple_of3A_45, %dma_wait3A_90] : memref<17920x128xf32, #tpu.memory_space<hbm>> -> memref<112x128xf32, #tpu.memory_space<hbm>>
    %dma_wait3A_92 = arith.constant 0 : i32
    %dma_wait3A_93 = tpu.memref_slice %arg4[%multiple_of3A_45, %dma_wait3A_92] : memref<17920x128xf32, #tpu.memory_space<hbm>> -> memref<112x128xf32, #tpu.memory_space<hbm>>
    tpu.wait_dma2 semaphore(%arg17 : memref<!tpu.dma_semaphore, #tpu.memory_space<semaphore_mem>>) src(%arg7 : memref<112x128xf32, #tpu.memory_space<vmem>>) dst(%dma_wait3A_93 : memref<112x128xf32, #tpu.memory_space<hbm>>)
    %dma_wait3A_94 = arith.constant 0 : i32
    %dma_wait3A_95 = tpu.memref_slice %arg4[%multiple_of3A_57, %dma_wait3A_94] : memref<17920x128xf32, #tpu.memory_space<hbm>> -> memref<112x128xf32, #tpu.memory_space<hbm>>
    %dma_wait3A_96 = arith.constant 0 : i32
    %dma_wait3A_97 = tpu.memref_slice %arg4[%multiple_of3A_57, %dma_wait3A_96] : memref<17920x128xf32, #tpu.memory_space<hbm>> -> memref<112x128xf32, #tpu.memory_space<hbm>>
    tpu.wait_dma2 semaphore(%arg18 : memref<!tpu.dma_semaphore, #tpu.memory_space<semaphore_mem>>) src(%arg8 : memref<112x128xf32, #tpu.memory_space<vmem>>) dst(%dma_wait3A_97 : memref<112x128xf32, #tpu.memory_space<hbm>>)
    %dma_wait3A_98 = arith.constant 0 : i32
    %dma_wait3A_99 = tpu.memref_slice %arg4[%multiple_of3A_69, %dma_wait3A_98] : memref<17920x128xf32, #tpu.memory_space<hbm>> -> memref<112x128xf32, #tpu.memory_space<hbm>>
    %dma_wait3A_100 = arith.constant 0 : i32
    %dma_wait3A_101 = tpu.memref_slice %arg4[%multiple_of3A_69, %dma_wait3A_100] : memref<17920x128xf32, #tpu.memory_space<hbm>> -> memref<112x128xf32, #tpu.memory_space<hbm>>
    tpu.wait_dma2 semaphore(%arg19 : memref<!tpu.dma_semaphore, #tpu.memory_space<semaphore_mem>>) src(%arg9 : memref<112x128xf32, #tpu.memory_space<vmem>>) dst(%dma_wait3A_101 : memref<112x128xf32, #tpu.memory_space<hbm>>)
    %dma_wait3A_102 = arith.constant 0 : i32
    %dma_wait3A_103 = tpu.memref_slice %arg4[%multiple_of3A_81, %dma_wait3A_102] : memref<17920x128xf32, #tpu.memory_space<hbm>> -> memref<112x128xf32, #tpu.memory_space<hbm>>
    %dma_wait3A_104 = arith.constant 0 : i32
    %dma_wait3A_105 = tpu.memref_slice %arg4[%multiple_of3A_81, %dma_wait3A_104] : memref<17920x128xf32, #tpu.memory_space<hbm>> -> memref<112x128xf32, #tpu.memory_space<hbm>>
    tpu.wait_dma2 semaphore(%arg20 : memref<!tpu.dma_semaphore, #tpu.memory_space<semaphore_mem>>) src(%arg10 : memref<112x128xf32, #tpu.memory_space<vmem>>) dst(%dma_wait3A_105 : memref<112x128xf32, #tpu.memory_space<hbm>>)
    return
  }
}

module attributes {stable_mosaic.version = 14 : i64} {
  func.func @_pass_a_body(%arg0: i32, %arg1: memref<2048x128xf32, #tpu.memory_space<vmem>>, %arg2: memref<128x1xf32, #tpu.memory_space<vmem>>, %arg3: memref<1x16xi32, #tpu.memory_space<vmem>>, %arg4: memref<1x16xi32, #tpu.memory_space<vmem>>, %arg5: memref<2048x1xf32, #tpu.memory_space<vmem>>, %arg6: memref<16x1xf32, #tpu.memory_space<vmem>>) attributes {dimension_semantics = [#tpu.dimension_semantics<arbitrary>], iteration_bounds = array<i64: 8>, scalar_prefetch = 0 : i64, scratch_operands = 0 : i64, tpu.core_type = #tpu.core_type<tc>, window_params = [{transform_indices = @transform_0, window_bounds = array<i64: 2048, 128>}, {pipeline_mode = #tpu.pipeline_mode<synchronous>, transform_indices = @transform_1, window_bounds = array<i64: 128, 1>}, {pipeline_mode = #tpu.pipeline_mode<synchronous>, transform_indices = @transform_2, window_bounds = array<i64: 1, 16>}, {pipeline_mode = #tpu.pipeline_mode<synchronous>, transform_indices = @transform_3, window_bounds = array<i64: 1, 16>}, {transform_indices = @transform_4, window_bounds = array<i64: 2048, 1>}, {pipeline_mode = #tpu.pipeline_mode<synchronous>, transform_indices = @transform_5, window_bounds = array<i64: 16, 1>}]} {
    %get3A = arith.constant 0 : index
    %get3A_0 = arith.constant 0 : index
    %get3A_1 = vector.load %arg1[%get3A, %get3A_0] : memref<2048x128xf32, #tpu.memory_space<vmem>>, vector<2048x128xf32>
    %get3A_2 = arith.constant 0 : index
    %get3A_3 = arith.constant 0 : index
    %get3A_4 = vector.load %arg2[%get3A_2, %get3A_3] : memref<128x1xf32, #tpu.memory_space<vmem>>, vector<128x1xf32>
    %dot_general3A = arith.constant dense<0.000000e+00> : vector<2048x1xf32>
    %dot_general3A_5 = tpu.matmul %get3A_1, %get3A_4, %dot_general3A {dimension_numbers = #tpu.dot_dimension_numbers<[1], [0], [0], [1], [0, 0, 1, 1], [], []>, transpose_lhs_hint = false} : vector<2048x128xf32>, vector<128x1xf32>, vector<2048x1xf32> -> vector<2048x1xf32>
    %exp3A = math.exp %dot_general3A_5 : vector<2048x1xf32>
    %swap3A = arith.constant 0 : index
    %swap3A_6 = arith.constant 0 : index
    %swap3A_7 = vector.load %arg5[%swap3A, %swap3A_6] : memref<2048x1xf32, #tpu.memory_space<vmem>>, vector<2048x1xf32>
    tpu.vector_store %arg5[%swap3A, %swap3A_6], %exp3A {strides = array<i32>} : memref<2048x1xf32, #tpu.memory_space<vmem>>, vector<2048x1xf32>,
    %iota3A = tpu.iota {dimensions = array<i32: 0>} : vector<2048x16xi32>
    %add3A = arith.constant 16384 : i32
    %add3A_8 = vector.broadcast %add3A : i32 to vector<2048x16xi32>
    %add3A_9 = arith.addi %iota3A, %add3A_8 : vector<2048x16xi32>
    %mul3A = arith.constant 2048 : i32
    %mul3A_10 = arith.muli %arg0, %mul3A : i32
    %add3A_11 = vector.broadcast %mul3A_10 : i32 to vector<2048x16xi32>
    %add3A_12 = arith.addi %add3A_9, %add3A_11 : vector<2048x16xi32>
    %get3A_13 = arith.constant 0 : index
    %get3A_14 = arith.constant 0 : index
    %get3A_15 = vector.load %arg3[%get3A_13, %get3A_14] : memref<1x16xi32, #tpu.memory_space<vmem>>, vector<1x16xi32>
    %ge3A = vector.broadcast %get3A_15 : vector<1x16xi32> to vector<2048x16xi32>
    %ge3A_16 = arith.cmpi sge, %add3A_12, %ge3A : vector<2048x16xi32>
    %get3A_17 = arith.constant 0 : index
    %get3A_18 = arith.constant 0 : index
    %get3A_19 = vector.load %arg4[%get3A_17, %get3A_18] : memref<1x16xi32, #tpu.memory_space<vmem>>, vector<1x16xi32>
    %lt3A = vector.broadcast %get3A_19 : vector<1x16xi32> to vector<2048x16xi32>
    %lt3A_20 = arith.cmpi slt, %add3A_12, %lt3A : vector<2048x16xi32>
    %and3A = arith.andi %ge3A_16, %lt3A_20 : vector<2048x16xi1>
    %convert_element_type3A = arith.extui %and3A : vector<2048x16xi1> to vector<2048x16xi32>
    %convert_element_type3A_21 = arith.sitofp %convert_element_type3A : vector<2048x16xi32> to vector<2048x16xf32>
    %dot_general3A_22 = arith.constant dense<0.000000e+00> : vector<16x1xf32>
    %dot_general3A_23 = tpu.matmul %convert_element_type3A_21, %exp3A, %dot_general3A_22 {dimension_numbers = #tpu.dot_dimension_numbers<[0], [0], [1], [1], [0, 1, 1, 1], [], []>, transpose_lhs_hint = false} : vector<2048x16xf32>, vector<2048x1xf32>, vector<16x1xf32> -> vector<16x1xf32>
    %eq3A = arith.constant 0 : i32
    %eq3A_24 = arith.cmpi eq, %arg0, %eq3A : i32
    %convert_element_type3A_25 = arith.extui %eq3A_24 : i1 to i32
    %cond3A = arith.constant 0 : i32
    %cond3A_26 = arith.cmpi ne, %convert_element_type3A_25, %cond3A : i32
    scf.if %cond3A_26 {
      %swap3A_31 = arith.constant 0 : index
      %swap3A_32 = arith.constant 0 : index
      %swap3A_33 = vector.load %arg6[%swap3A_31, %swap3A_32] : memref<16x1xf32, #tpu.memory_space<vmem>>, vector<16x1xf32>
      tpu.vector_store %arg6[%swap3A_31, %swap3A_32], %dot_general3A_23 {strides = array<i32>} : memref<16x1xf32, #tpu.memory_space<vmem>>, vector<16x1xf32>,
    } else {
    }
    %gt3A = arith.constant 0 : i32
    %gt3A_27 = arith.cmpi sgt, %arg0, %gt3A : i32
    %convert_element_type3A_28 = arith.extui %gt3A_27 : i1 to i32
    %cond3A_29 = arith.constant 0 : i32
    %cond3A_30 = arith.cmpi ne, %convert_element_type3A_28, %cond3A_29 : i32
    scf.if %cond3A_30 {
      %get3A_31 = arith.constant 0 : index
      %get3A_32 = arith.constant 0 : index
      %get3A_33 = vector.load %arg6[%get3A_31, %get3A_32] : memref<16x1xf32, #tpu.memory_space<vmem>>, vector<16x1xf32>
      %add3A_34 = arith.addf %get3A_33, %dot_general3A_23 : vector<16x1xf32>
      %swap3A_35 = arith.constant 0 : index
      %swap3A_36 = arith.constant 0 : index
      %swap3A_37 = vector.load %arg6[%swap3A_35, %swap3A_36] : memref<16x1xf32, #tpu.memory_space<vmem>>, vector<16x1xf32>
      tpu.vector_store %arg6[%swap3A_35, %swap3A_36], %add3A_34 {strides = array<i32>} : memref<16x1xf32, #tpu.memory_space<vmem>>, vector<16x1xf32>,
    } else {
    }
    return
  }
  func.func @transform_0(%arg0: i32) -> (i32, i32) {
    %c0_i32 = arith.constant 0 : i32
    %c0_i32_0 = arith.constant 0 : i32
    return %arg0, %c0_i32 : i32, i32
  }
  func.func @transform_1(%arg0: i32) -> (i32, i32) {
    %c0_i32 = arith.constant 0 : i32
    %c0_i32_0 = arith.constant 0 : i32
    %c0_i32_1 = arith.constant 0 : i32
    return %c0_i32, %c0_i32_0 : i32, i32
  }
  func.func @transform_2(%arg0: i32) -> (i32, i32) {
    %c0_i32 = arith.constant 0 : i32
    %c0_i32_0 = arith.constant 0 : i32
    %c0_i32_1 = arith.constant 0 : i32
    return %c0_i32, %c0_i32_0 : i32, i32
  }
  func.func @transform_3(%arg0: i32) -> (i32, i32) {
    %c0_i32 = arith.constant 0 : i32
    %c0_i32_0 = arith.constant 0 : i32
    %c0_i32_1 = arith.constant 0 : i32
    return %c0_i32, %c0_i32_0 : i32, i32
  }
  func.func @transform_4(%arg0: i32) -> (i32, i32) {
    %c0_i32 = arith.constant 0 : i32
    %c0_i32_0 = arith.constant 0 : i32
    return %arg0, %c0_i32 : i32, i32
  }
  func.func @transform_5(%arg0: i32) -> (i32, i32) {
    %c0_i32 = arith.constant 0 : i32
    %c0_i32_0 = arith.constant 0 : i32
    %c0_i32_1 = arith.constant 0 : i32
    return %c0_i32, %c0_i32_0 : i32, i32
  }
}

module attributes {stable_mosaic.version = 14 : i64} {
  func.func @_pass_a_body(%arg0: i32, %arg1: memref<2048x128xf32, #tpu.memory_space<vmem>>, %arg2: memref<128x1xf32, #tpu.memory_space<vmem>>, %arg3: memref<1x16xi32, #tpu.memory_space<vmem>>, %arg4: memref<1x16xi32, #tpu.memory_space<vmem>>, %arg5: memref<2048x1xf32, #tpu.memory_space<vmem>>, %arg6: memref<16x1xf32, #tpu.memory_space<vmem>>) attributes {dimension_semantics = [#tpu.dimension_semantics<arbitrary>], iteration_bounds = array<i64: 8>, scalar_prefetch = 0 : i64, scratch_operands = 0 : i64, tpu.core_type = #tpu.core_type<tc>, window_params = [{transform_indices = @transform_0, window_bounds = array<i64: 2048, 128>}, {pipeline_mode = #tpu.pipeline_mode<synchronous>, transform_indices = @transform_1, window_bounds = array<i64: 128, 1>}, {pipeline_mode = #tpu.pipeline_mode<synchronous>, transform_indices = @transform_2, window_bounds = array<i64: 1, 16>}, {pipeline_mode = #tpu.pipeline_mode<synchronous>, transform_indices = @transform_3, window_bounds = array<i64: 1, 16>}, {transform_indices = @transform_4, window_bounds = array<i64: 2048, 1>}, {pipeline_mode = #tpu.pipeline_mode<synchronous>, transform_indices = @transform_5, window_bounds = array<i64: 16, 1>}]} {
    %get3A = arith.constant 0 : index
    %get3A_0 = arith.constant 0 : index
    %get3A_1 = vector.load %arg1[%get3A, %get3A_0] : memref<2048x128xf32, #tpu.memory_space<vmem>>, vector<2048x128xf32>
    %get3A_2 = arith.constant 0 : index
    %get3A_3 = arith.constant 0 : index
    %get3A_4 = vector.load %arg2[%get3A_2, %get3A_3] : memref<128x1xf32, #tpu.memory_space<vmem>>, vector<128x1xf32>
    %dot_general3A = arith.constant dense<0.000000e+00> : vector<2048x1xf32>
    %dot_general3A_5 = tpu.matmul %get3A_1, %get3A_4, %dot_general3A {dimension_numbers = #tpu.dot_dimension_numbers<[1], [0], [0], [1], [0, 0, 1, 1], [], []>, transpose_lhs_hint = false} : vector<2048x128xf32>, vector<128x1xf32>, vector<2048x1xf32> -> vector<2048x1xf32>
    %exp3A = math.exp %dot_general3A_5 : vector<2048x1xf32>
    %swap3A = arith.constant 0 : index
    %swap3A_6 = arith.constant 0 : index
    %swap3A_7 = vector.load %arg5[%swap3A, %swap3A_6] : memref<2048x1xf32, #tpu.memory_space<vmem>>, vector<2048x1xf32>
    tpu.vector_store %arg5[%swap3A, %swap3A_6], %exp3A {strides = array<i32>} : memref<2048x1xf32, #tpu.memory_space<vmem>>, vector<2048x1xf32>,
    %iota3A = tpu.iota {dimensions = array<i32: 0>} : vector<2048x16xi32>
    %add3A = arith.constant 0 : i32
    %add3A_8 = vector.broadcast %add3A : i32 to vector<2048x16xi32>
    %add3A_9 = arith.addi %iota3A, %add3A_8 : vector<2048x16xi32>
    %mul3A = arith.constant 2048 : i32
    %mul3A_10 = arith.muli %arg0, %mul3A : i32
    %add3A_11 = vector.broadcast %mul3A_10 : i32 to vector<2048x16xi32>
    %add3A_12 = arith.addi %add3A_9, %add3A_11 : vector<2048x16xi32>
    %get3A_13 = arith.constant 0 : index
    %get3A_14 = arith.constant 0 : index
    %get3A_15 = vector.load %arg3[%get3A_13, %get3A_14] : memref<1x16xi32, #tpu.memory_space<vmem>>, vector<1x16xi32>
    %ge3A = vector.broadcast %get3A_15 : vector<1x16xi32> to vector<2048x16xi32>
    %ge3A_16 = arith.cmpi sge, %add3A_12, %ge3A : vector<2048x16xi32>
    %get3A_17 = arith.constant 0 : index
    %get3A_18 = arith.constant 0 : index
    %get3A_19 = vector.load %arg4[%get3A_17, %get3A_18] : memref<1x16xi32, #tpu.memory_space<vmem>>, vector<1x16xi32>
    %lt3A = vector.broadcast %get3A_19 : vector<1x16xi32> to vector<2048x16xi32>
    %lt3A_20 = arith.cmpi slt, %add3A_12, %lt3A : vector<2048x16xi32>
    %and3A = arith.andi %ge3A_16, %lt3A_20 : vector<2048x16xi1>
    %convert_element_type3A = arith.extui %and3A : vector<2048x16xi1> to vector<2048x16xi32>
    %convert_element_type3A_21 = arith.sitofp %convert_element_type3A : vector<2048x16xi32> to vector<2048x16xf32>
    %dot_general3A_22 = arith.constant dense<0.000000e+00> : vector<16x1xf32>
    %dot_general3A_23 = tpu.matmul %convert_element_type3A_21, %exp3A, %dot_general3A_22 {dimension_numbers = #tpu.dot_dimension_numbers<[0], [0], [1], [1], [0, 1, 1, 1], [], []>, transpose_lhs_hint = false} : vector<2048x16xf32>, vector<2048x1xf32>, vector<16x1xf32> -> vector<16x1xf32>
    %eq3A = arith.constant 0 : i32
    %eq3A_24 = arith.cmpi eq, %arg0, %eq3A : i32
    %convert_element_type3A_25 = arith.extui %eq3A_24 : i1 to i32
    %cond3A = arith.constant 0 : i32
    %cond3A_26 = arith.cmpi ne, %convert_element_type3A_25, %cond3A : i32
    scf.if %cond3A_26 {
      %swap3A_31 = arith.constant 0 : index
      %swap3A_32 = arith.constant 0 : index
      %swap3A_33 = vector.load %arg6[%swap3A_31, %swap3A_32] : memref<16x1xf32, #tpu.memory_space<vmem>>, vector<16x1xf32>
      tpu.vector_store %arg6[%swap3A_31, %swap3A_32], %dot_general3A_23 {strides = array<i32>} : memref<16x1xf32, #tpu.memory_space<vmem>>, vector<16x1xf32>,
    } else {
    }
    %gt3A = arith.constant 0 : i32
    %gt3A_27 = arith.cmpi sgt, %arg0, %gt3A : i32
    %convert_element_type3A_28 = arith.extui %gt3A_27 : i1 to i32
    %cond3A_29 = arith.constant 0 : i32
    %cond3A_30 = arith.cmpi ne, %convert_element_type3A_28, %cond3A_29 : i32
    scf.if %cond3A_30 {
      %get3A_31 = arith.constant 0 : index
      %get3A_32 = arith.constant 0 : index
      %get3A_33 = vector.load %arg6[%get3A_31, %get3A_32] : memref<16x1xf32, #tpu.memory_space<vmem>>, vector<16x1xf32>
      %add3A_34 = arith.addf %get3A_33, %dot_general3A_23 : vector<16x1xf32>
      %swap3A_35 = arith.constant 0 : index
      %swap3A_36 = arith.constant 0 : index
      %swap3A_37 = vector.load %arg6[%swap3A_35, %swap3A_36] : memref<16x1xf32, #tpu.memory_space<vmem>>, vector<16x1xf32>
      tpu.vector_store %arg6[%swap3A_35, %swap3A_36], %add3A_34 {strides = array<i32>} : memref<16x1xf32, #tpu.memory_space<vmem>>, vector<16x1xf32>,
    } else {
    }
    return
  }
  func.func @transform_0(%arg0: i32) -> (i32, i32) {
    %c0_i32 = arith.constant 0 : i32
    %c0_i32_0 = arith.constant 0 : i32
    return %arg0, %c0_i32 : i32, i32
  }
  func.func @transform_1(%arg0: i32) -> (i32, i32) {
    %c0_i32 = arith.constant 0 : i32
    %c0_i32_0 = arith.constant 0 : i32
    %c0_i32_1 = arith.constant 0 : i32
    return %c0_i32, %c0_i32_0 : i32, i32
  }
  func.func @transform_2(%arg0: i32) -> (i32, i32) {
    %c0_i32 = arith.constant 0 : i32
    %c0_i32_0 = arith.constant 0 : i32
    %c0_i32_1 = arith.constant 0 : i32
    return %c0_i32, %c0_i32_0 : i32, i32
  }
  func.func @transform_3(%arg0: i32) -> (i32, i32) {
    %c0_i32 = arith.constant 0 : i32
    %c0_i32_0 = arith.constant 0 : i32
    %c0_i32_1 = arith.constant 0 : i32
    return %c0_i32, %c0_i32_0 : i32, i32
  }
  func.func @transform_4(%arg0: i32) -> (i32, i32) {
    %c0_i32 = arith.constant 0 : i32
    %c0_i32_0 = arith.constant 0 : i32
    return %arg0, %c0_i32 : i32, i32
  }
  func.func @transform_5(%arg0: i32) -> (i32, i32) {
    %c0_i32 = arith.constant 0 : i32
    %c0_i32_0 = arith.constant 0 : i32
    %c0_i32_1 = arith.constant 0 : i32
    return %c0_i32, %c0_i32_0 : i32, i32
  }
}

module attributes {stable_mosaic.version = 14 : i64} {
  func.func @_pass_b_body(%arg0: i32, %arg1: memref<2048x128xf32, #tpu.memory_space<vmem>>, %arg2: memref<32x128xf32, #tpu.memory_space<vmem>>, %arg3: memref<128x32xf32, #tpu.memory_space<vmem>>, %arg4: memref<16x2xf32, #tpu.memory_space<vmem>>, %arg5: memref<32x2xf32, #tpu.memory_space<vmem>>, %arg6: memref<2048x1xf32, #tpu.memory_space<vmem>>, %arg7: memref<16x1xf32, #tpu.memory_space<vmem>>, %arg8: memref<16x1xf32, #tpu.memory_space<vmem>>, %arg9: memref<1x16xi32, #tpu.memory_space<vmem>>, %arg10: memref<1x16xi32, #tpu.memory_space<vmem>>, %arg11: memref<16x1xi32, #tpu.memory_space<vmem>>, %arg12: memref<16x1xi32, #tpu.memory_space<vmem>>, %arg13: memref<128x256xf32, #tpu.memory_space<vmem>>, %arg14: memref<1x128xf32, #tpu.memory_space<vmem>>, %arg15: memref<16x128xf32, #tpu.memory_space<vmem>>, %arg16: memref<16x128xf32, #tpu.memory_space<vmem>>, %arg17: memref<16x128xf32, #tpu.memory_space<vmem>>) attributes {dimension_semantics = [#tpu.dimension_semantics<arbitrary>], iteration_bounds = array<i64: 8>, scalar_prefetch = 0 : i64, scratch_operands = 1 : i64, tpu.core_type = #tpu.core_type<tc>, window_params = [{transform_indices = @transform_0, window_bounds = array<i64: 2048, 128>}, {transform_indices = @transform_1, window_bounds = array<i64: 32, 128>}, {pipeline_mode = #tpu.pipeline_mode<synchronous>, transform_indices = @transform_2, window_bounds = array<i64: 128, 32>}, {pipeline_mode = #tpu.pipeline_mode<synchronous>, transform_indices = @transform_3, window_bounds = array<i64: 16, 2>}, {pipeline_mode = #tpu.pipeline_mode<synchronous>, transform_indices = @transform_4, window_bounds = array<i64: 32, 2>}, {transform_indices = @transform_5, window_bounds = array<i64: 2048, 1>}, {pipeline_mode = #tpu.pipeline_mode<synchronous>, transform_indices = @transform_6, window_bounds = array<i64: 16, 1>}, {pipeline_mode = #tpu.pipeline_mode<synchronous>, transform_indices = @transform_7, window_bounds = array<i64: 16, 1>}, {pipeline_mode = #tpu.pipeline_mode<synchronous>, transform_indices = @transform_8, window_bounds = array<i64: 1, 16>}, {pipeline_mode = #tpu.pipeline_mode<synchronous>, transform_indices = @transform_9, window_bounds = array<i64: 1, 16>}, {pipeline_mode = #tpu.pipeline_mode<synchronous>, transform_indices = @transform_10, window_bounds = array<i64: 16, 1>}, {pipeline_mode = #tpu.pipeline_mode<synchronous>, transform_indices = @transform_11, window_bounds = array<i64: 16, 1>}, {pipeline_mode = #tpu.pipeline_mode<synchronous>, transform_indices = @transform_12, window_bounds = array<i64: 128, 256>}, {pipeline_mode = #tpu.pipeline_mode<synchronous>, transform_indices = @transform_13, window_bounds = array<i64: 1, 128>}, {pipeline_mode = #tpu.pipeline_mode<synchronous>, transform_indices = @transform_14, window_bounds = array<i64: 16, 128>}, {pipeline_mode = #tpu.pipeline_mode<synchronous>, transform_indices = @transform_15, window_bounds = array<i64: 16, 128>}]} {
    %get3A = arith.constant 0 : index
    %get3A_0 = arith.constant 0 : index
    %get3A_1 = vector.load %arg1[%get3A, %get3A_0] : memref<2048x128xf32, #tpu.memory_space<vmem>>, vector<2048x128xf32>
    %get3A_2 = arith.constant 0 : index
    %get3A_3 = arith.constant 0 : index
    %get3A_4 = vector.load %arg6[%get3A_2, %get3A_3] : memref<2048x1xf32, #tpu.memory_space<vmem>>, vector<2048x1xf32>
    %iota3A = tpu.iota {dimensions = array<i32: 0>} : vector<2048x16xi32>
    %add3A = arith.constant 0 : i32
    %add3A_5 = vector.broadcast %add3A : i32 to vector<2048x16xi32>
    %add3A_6 = arith.addi %iota3A, %add3A_5 : vector<2048x16xi32>
    %mul3A = arith.constant 2048 : i32
    %mul3A_7 = arith.muli %arg0, %mul3A : i32
    %add3A_8 = vector.broadcast %mul3A_7 : i32 to vector<2048x16xi32>
    %add3A_9 = arith.addi %add3A_6, %add3A_8 : vector<2048x16xi32>
    %get3A_10 = arith.constant 0 : index
    %get3A_11 = arith.constant 0 : index
    %get3A_12 = vector.load %arg9[%get3A_10, %get3A_11] : memref<1x16xi32, #tpu.memory_space<vmem>>, vector<1x16xi32>
    %ge3A = vector.broadcast %get3A_12 : vector<1x16xi32> to vector<2048x16xi32>
    %ge3A_13 = arith.cmpi sge, %add3A_9, %ge3A : vector<2048x16xi32>
    %get3A_14 = arith.constant 0 : index
    %get3A_15 = arith.constant 0 : index
    %get3A_16 = vector.load %arg10[%get3A_14, %get3A_15] : memref<1x16xi32, #tpu.memory_space<vmem>>, vector<1x16xi32>
    %lt3A = vector.broadcast %get3A_16 : vector<1x16xi32> to vector<2048x16xi32>
    %lt3A_17 = arith.cmpi slt, %add3A_9, %lt3A : vector<2048x16xi32>
    %and3A = arith.andi %ge3A_13, %lt3A_17 : vector<2048x16xi1>
    %convert_element_type3A = arith.extui %and3A : vector<2048x16xi1> to vector<2048x16xi32>
    %convert_element_type3A_18 = arith.sitofp %convert_element_type3A : vector<2048x16xi32> to vector<2048x16xf32>
    %get3A_19 = arith.constant 0 : index
    %get3A_20 = arith.constant 0 : index
    %get3A_21 = vector.load %arg7[%get3A_19, %get3A_20] : memref<16x1xf32, #tpu.memory_space<vmem>>, vector<16x1xf32>
    %get3A_22 = arith.constant 0 : index
    %get3A_23 = arith.constant 0 : index
    %get3A_24 = vector.load %arg8[%get3A_22, %get3A_23] : memref<16x1xf32, #tpu.memory_space<vmem>>, vector<16x1xf32>
    %add3A_25 = arith.addf %get3A_21, %get3A_24 : vector<16x1xf32>
    %dot_general3A = arith.constant dense<0.000000e+00> : vector<2048x1xf32>
    %dot_general3A_26 = tpu.matmul %convert_element_type3A_18, %add3A_25, %dot_general3A {dimension_numbers = #tpu.dot_dimension_numbers<[1], [0], [0], [1], [0, 0, 1, 1], [], []>, transpose_lhs_hint = false} : vector<2048x16xf32>, vector<16x1xf32>, vector<2048x1xf32> -> vector<2048x1xf32>
    %div3A = arith.divf %get3A_4, %dot_general3A_26 : vector<2048x1xf32>
    %get3A_27 = arith.constant 0 : index
    %get3A_28 = arith.constant 0 : index
    %get3A_29 = vector.load %arg3[%get3A_27, %get3A_28] : memref<128x32xf32, #tpu.memory_space<vmem>>, vector<128x32xf32>
    %dot_general3A_30 = arith.constant dense<0.000000e+00> : vector<2048x32xf32>
    %dot_general3A_31 = tpu.matmul %get3A_1, %get3A_29, %dot_general3A_30 {dimension_numbers = #tpu.dot_dimension_numbers<[1], [0], [0], [1], [0, 0, 1, 1], [], []>, transpose_lhs_hint = false} : vector<2048x128xf32>, vector<128x32xf32>, vector<2048x32xf32> -> vector<2048x32xf32>
    %concatenate3A = tpu.concatenate %convert_element_type3A_18, %convert_element_type3A_18 in 1 : vector<2048x16xf32>, vector<2048x16xf32> -> vector<2048x32xf32>
    %mul3A_32 = arith.mulf %dot_general3A_31, %concatenate3A : vector<2048x32xf32>
    %get3A_33 = arith.constant 0 : index
    %get3A_34 = arith.constant 0 : index
    %get3A_35 = vector.load %arg5[%get3A_33, %get3A_34] : memref<32x2xf32, #tpu.memory_space<vmem>>, vector<32x2xf32>
    %dot_general3A_36 = arith.constant dense<0.000000e+00> : vector<2048x2xf32>
    %dot_general3A_37 = tpu.matmul %mul3A_32, %get3A_35, %dot_general3A_36 {dimension_numbers = #tpu.dot_dimension_numbers<[1], [0], [0], [1], [0, 0, 1, 1], [], []>, transpose_lhs_hint = false} : vector<2048x32xf32>, vector<32x2xf32>, vector<2048x2xf32> -> vector<2048x2xf32>
    %get3A_38 = arith.constant 0 : index
    %get3A_39 = arith.constant 0 : index
    %get3A_40 = vector.load %arg4[%get3A_38, %get3A_39] : memref<16x2xf32, #tpu.memory_space<vmem>>, vector<16x2xf32>
    %dot_general3A_41 = arith.constant dense<0.000000e+00> : vector<2048x2xf32>
    %dot_general3A_42 = tpu.matmul %convert_element_type3A_18, %get3A_40, %dot_general3A_41 {dimension_numbers = #tpu.dot_dimension_numbers<[1], [0], [0], [1], [0, 0, 1, 1], [], []>, transpose_lhs_hint = false} : vector<2048x16xf32>, vector<16x2xf32>, vector<2048x2xf32> -> vector<2048x2xf32>
    %mul3A_43 = arith.mulf %get3A_1, %get3A_1 : vector<2048x128xf32>
    %broadcast_in_dim3A = arith.constant 1.000000e+00 : f32
    %broadcast_in_dim3A_44 = vector.broadcast %broadcast_in_dim3A : f32 to vector<128x1xf32>
    %dot_general3A_45 = arith.constant dense<0.000000e+00> : vector<2048x1xf32>
    %dot_general3A_46 = tpu.matmul %mul3A_43, %broadcast_in_dim3A_44, %dot_general3A_45 {dimension_numbers = #tpu.dot_dimension_numbers<[1], [0], [0], [1], [0, 0, 1, 1], [], []>, transpose_lhs_hint = false} : vector<2048x128xf32>, vector<128x1xf32>, vector<2048x1xf32> -> vector<2048x1xf32>
    %sqrt3A = math.sqrt %dot_general3A_46 : vector<2048x1xf32>
    %sqrt3A_47 = math.sqrt %dot_general3A_42 : vector<2048x2xf32>
    %mul3A_48 = vector.broadcast %sqrt3A : vector<2048x1xf32> to vector<2048x2xf32>
    %mul3A_49 = arith.mulf %mul3A_48, %sqrt3A_47 : vector<2048x2xf32>
    %add3A_50 = arith.constant 9.99999993E-9 : f32
    %add3A_51 = vector.broadcast %add3A_50 : f32 to vector<2048x2xf32>
    %add3A_52 = arith.addf %mul3A_49, %add3A_51 : vector<2048x2xf32>
    %div3A_53 = arith.divf %dot_general3A_37, %add3A_52 : vector<2048x2xf32>
    %slice3A = vector.extract_strided_slice %div3A_53 {offsets = [0, 0], sizes = [2048, 1], strides = [1, 1]} : vector<2048x2xf32> to vector<2048x1xf32>
    %slice3A_54 = vector.extract_strided_slice %div3A_53 {offsets = [0, 1], sizes = [2048, 1], strides = [1, 1]} : vector<2048x2xf32> to vector<2048x1xf32>
    %add3A_55 = arith.addf %slice3A, %slice3A_54 : vector<2048x1xf32>
    %mul3A_56 = arith.constant 5.000000e-01 : f32
    %mul3A_57 = vector.broadcast %mul3A_56 : f32 to vector<2048x1xf32>
    %mul3A_58 = arith.mulf %mul3A_57, %add3A_55 : vector<2048x1xf32>
    %sub3A = arith.constant 1.000000e+00 : f32
    %sub3A_59 = vector.broadcast %sub3A : f32 to vector<2048x1xf32>
    %sub3A_60 = arith.subf %sub3A_59, %mul3A_58 : vector<2048x1xf32>
    %mul3A_61 = arith.constant 5.000000e-01 : f32
    %mul3A_62 = vector.broadcast %mul3A_61 : f32 to vector<2048x1xf32>
    %mul3A_63 = arith.mulf %sub3A_60, %mul3A_62 : vector<2048x1xf32>
    %get3A_64 = arith.constant 0 : index
    %get3A_65 = arith.constant 0 : index
    %get3A_66 = vector.load %arg13[%get3A_64, %get3A_65] : memref<128x256xf32, #tpu.memory_space<vmem>>, vector<128x256xf32>
    %dot_general3A_67 = arith.constant dense<0.000000e+00> : vector<2048x256xf32>
    %dot_general3A_68 = tpu.matmul %get3A_1, %get3A_66, %dot_general3A_67 {dimension_numbers = #tpu.dot_dimension_numbers<[1], [0], [0], [1], [0, 0, 1, 1], [], []>, transpose_lhs_hint = false} : vector<2048x128xf32>, vector<128x256xf32>, vector<2048x256xf32> -> vector<2048x256xf32>
    %slice3A_69 = vector.extract_strided_slice %dot_general3A_68 {offsets = [0, 0], sizes = [2048, 128], strides = [1, 1]} : vector<2048x256xf32> to vector<2048x128xf32>
    %mul3A_70 = vector.broadcast %mul3A_63 : vector<2048x1xf32> to vector<2048x128xf32>
    %mul3A_71 = arith.mulf %mul3A_70, %slice3A_69 : vector<2048x128xf32>
    %slice3A_72 = vector.extract_strided_slice %dot_general3A_68 {offsets = [0, 128], sizes = [2048, 128], strides = [1, 1]} : vector<2048x256xf32> to vector<2048x128xf32>
    %mul3A_73 = vector.broadcast %div3A : vector<2048x1xf32> to vector<2048x128xf32>
    %mul3A_74 = arith.mulf %mul3A_73, %slice3A_72 : vector<2048x128xf32>
    %add3A_75 = arith.addf %mul3A_71, %mul3A_74 : vector<2048x128xf32>
    %get3A_76 = arith.constant 0 : index
    %get3A_77 = arith.constant 0 : index
    %get3A_78 = vector.load %arg14[%get3A_76, %get3A_77] : memref<1x128xf32, #tpu.memory_space<vmem>>, vector<1x128xf32>
    %add3A_79 = vector.broadcast %get3A_78 : vector<1x128xf32> to vector<2048x128xf32>
    %add3A_80 = arith.addf %add3A_75, %add3A_79 : vector<2048x128xf32>
    %max3A = arith.constant 0.000000e+00 : f32
    %max3A_81 = vector.broadcast %max3A : f32 to vector<2048x128xf32>
    %max3A_82 = arith.maximumf %add3A_80, %max3A_81 : vector<2048x128xf32>
    %dot_general3A_83 = arith.constant dense<0.000000e+00> : vector<16x128xf32>
    %dot_general3A_84 = tpu.matmul %convert_element_type3A_18, %max3A_82, %dot_general3A_83 {dimension_numbers = #tpu.dot_dimension_numbers<[0], [0], [1], [1], [0, 1, 1, 1], [], []>, transpose_lhs_hint = false} : vector<2048x16xf32>, vector<2048x128xf32>, vector<16x128xf32> -> vector<16x128xf32>
    %eq3A = arith.constant 0 : i32
    %eq3A_85 = arith.cmpi eq, %arg0, %eq3A : i32
    %convert_element_type3A_86 = arith.extui %eq3A_85 : i1 to i32
    %cond3A = arith.constant 0 : i32
    %cond3A_87 = arith.cmpi ne, %convert_element_type3A_86, %cond3A : i32
    scf.if %cond3A_87 {
      %get3A_97 = arith.constant 0 : index
      %get3A_98 = arith.constant 0 : index
      %get3A_99 = vector.load %arg15[%get3A_97, %get3A_98] : memref<16x128xf32, #tpu.memory_space<vmem>>, vector<16x128xf32>
      %add3A_100 = arith.addf %dot_general3A_84, %get3A_99 : vector<16x128xf32>
      %swap3A = arith.constant 0 : index
      %swap3A_101 = arith.constant 0 : index
      %swap3A_102 = vector.load %arg17[%swap3A, %swap3A_101] : memref<16x128xf32, #tpu.memory_space<vmem>>, vector<16x128xf32>
      tpu.vector_store %arg17[%swap3A, %swap3A_101], %add3A_100 {strides = array<i32>} : memref<16x128xf32, #tpu.memory_space<vmem>>, vector<16x128xf32>,
    } else {
    }
    %gt3A = arith.constant 0 : i32
    %gt3A_88 = arith.cmpi sgt, %arg0, %gt3A : i32
    %convert_element_type3A_89 = arith.extui %gt3A_88 : i1 to i32
    %cond3A_90 = arith.constant 0 : i32
    %cond3A_91 = arith.cmpi ne, %convert_element_type3A_89, %cond3A_90 : i32
    scf.if %cond3A_91 {
      %get3A_97 = arith.constant 0 : index
      %get3A_98 = arith.constant 0 : index
      %get3A_99 = vector.load %arg17[%get3A_97, %get3A_98] : memref<16x128xf32, #tpu.memory_space<vmem>>, vector<16x128xf32>
      %add3A_100 = arith.addf %get3A_99, %dot_general3A_84 : vector<16x128xf32>
      %swap3A = arith.constant 0 : index
      %swap3A_101 = arith.constant 0 : index
      %swap3A_102 = vector.load %arg17[%swap3A, %swap3A_101] : memref<16x128xf32, #tpu.memory_space<vmem>>, vector<16x128xf32>
      tpu.vector_store %arg17[%swap3A, %swap3A_101], %add3A_100 {strides = array<i32>} : memref<16x128xf32, #tpu.memory_space<vmem>>, vector<16x128xf32>,
    } else {
    }
    %eq3A_92 = arith.constant 7 : i32
    %eq3A_93 = arith.cmpi eq, %arg0, %eq3A_92 : i32
    %convert_element_type3A_94 = arith.extui %eq3A_93 : i1 to i32
    %cond3A_95 = arith.constant 0 : i32
    %cond3A_96 = arith.cmpi ne, %convert_element_type3A_94, %cond3A_95 : i32
    scf.if %cond3A_96 {
      %get3A_97 = arith.constant 0 : index
      %get3A_98 = arith.constant 0 : index
      %get3A_99 = vector.load %arg17[%get3A_97, %get3A_98] : memref<16x128xf32, #tpu.memory_space<vmem>>, vector<16x128xf32>
      %swap3A = arith.constant 0 : index
      %swap3A_100 = arith.constant 0 : index
      %swap3A_101 = vector.load %arg16[%swap3A, %swap3A_100] : memref<16x128xf32, #tpu.memory_space<vmem>>, vector<16x128xf32>
      tpu.vector_store %arg16[%swap3A, %swap3A_100], %get3A_99 {strides = array<i32>} : memref<16x128xf32, #tpu.memory_space<vmem>>, vector<16x128xf32>,
    } else {
    }
    return
  }
  func.func @transform_0(%arg0: i32) -> (i32, i32) {
    %c0_i32 = arith.constant 0 : i32
    %c0_i32_0 = arith.constant 0 : i32
    return %arg0, %c0_i32 : i32, i32
  }
  func.func @transform_1(%arg0: i32) -> (i32, i32) {
    %c512_i32 = arith.constant 512 : i32
    %c0_i32 = arith.constant 0 : i32
    %c0_i32_0 = arith.constant 0 : i32
    return %c512_i32, %c0_i32 : i32, i32
  }
  func.func @transform_2(%arg0: i32) -> (i32, i32) {
    %c0_i32 = arith.constant 0 : i32
    %c0_i32_0 = arith.constant 0 : i32
    %c0_i32_1 = arith.constant 0 : i32
    return %c0_i32, %c0_i32_0 : i32, i32
  }
  func.func @transform_3(%arg0: i32) -> (i32, i32) {
    %c0_i32 = arith.constant 0 : i32
    %c0_i32_0 = arith.constant 0 : i32
    %c0_i32_1 = arith.constant 0 : i32
    return %c0_i32, %c0_i32_0 : i32, i32
  }
  func.func @transform_4(%arg0: i32) -> (i32, i32) {
    %c0_i32 = arith.constant 0 : i32
    %c0_i32_0 = arith.constant 0 : i32
    %c0_i32_1 = arith.constant 0 : i32
    return %c0_i32, %c0_i32_0 : i32, i32
  }
  func.func @transform_5(%arg0: i32) -> (i32, i32) {
    %c0_i32 = arith.constant 0 : i32
    %c0_i32_0 = arith.constant 0 : i32
    return %arg0, %c0_i32 : i32, i32
  }
  func.func @transform_6(%arg0: i32) -> (i32, i32) {
    %c0_i32 = arith.constant 0 : i32
    %c0_i32_0 = arith.constant 0 : i32
    %c0_i32_1 = arith.constant 0 : i32
    return %c0_i32, %c0_i32_0 : i32, i32
  }
  func.func @transform_7(%arg0: i32) -> (i32, i32) {
    %c0_i32 = arith.constant 0 : i32
    %c0_i32_0 = arith.constant 0 : i32
    %c0_i32_1 = arith.constant 0 : i32
    return %c0_i32, %c0_i32_0 : i32, i32
  }
  func.func @transform_8(%arg0: i32) -> (i32, i32) {
    %c0_i32 = arith.constant 0 : i32
    %c0_i32_0 = arith.constant 0 : i32
    %c0_i32_1 = arith.constant 0 : i32
    return %c0_i32, %c0_i32_0 : i32, i32
  }
  func.func @transform_9(%arg0: i32) -> (i32, i32) {
    %c0_i32 = arith.constant 0 : i32
    %c0_i32_0 = arith.constant 0 : i32
    %c0_i32_1 = arith.constant 0 : i32
    return %c0_i32, %c0_i32_0 : i32, i32
  }
  func.func @transform_10(%arg0: i32) -> (i32, i32) {
    %c0_i32 = arith.constant 0 : i32
    %c0_i32_0 = arith.constant 0 : i32
    %c0_i32_1 = arith.constant 0 : i32
    return %c0_i32, %c0_i32_0 : i32, i32
  }
  func.func @transform_11(%arg0: i32) -> (i32, i32) {
    %c0_i32 = arith.constant 0 : i32
    %c0_i32_0 = arith.constant 0 : i32
    %c0_i32_1 = arith.constant 0 : i32
    return %c0_i32, %c0_i32_0 : i32, i32
  }
  func.func @transform_12(%arg0: i32) -> (i32, i32) {
    %c0_i32 = arith.constant 0 : i32
    %c0_i32_0 = arith.constant 0 : i32
    %c0_i32_1 = arith.constant 0 : i32
    return %c0_i32, %c0_i32_0 : i32, i32
  }
  func.func @transform_13(%arg0: i32) -> (i32, i32) {
    %c0_i32 = arith.constant 0 : i32
    %c0_i32_0 = arith.constant 0 : i32
    %c0_i32_1 = arith.constant 0 : i32
    return %c0_i32, %c0_i32_0 : i32, i32
  }
  func.func @transform_14(%arg0: i32) -> (i32, i32) {
    %c0_i32 = arith.constant 0 : i32
    %c0_i32_0 = arith.constant 0 : i32
    %c0_i32_1 = arith.constant 0 : i32
    return %c0_i32, %c0_i32_0 : i32, i32
  }
  func.func @transform_15(%arg0: i32) -> (i32, i32) {
    %c0_i32 = arith.constant 0 : i32
    %c0_i32_0 = arith.constant 0 : i32
    %c0_i32_1 = arith.constant 0 : i32
    return %c0_i32, %c0_i32_0 : i32, i32
  }
}

module attributes {stable_mosaic.version = 14 : i64} {
  func.func @_pass_b_body(%arg0: i32, %arg1: memref<2048x128xf32, #tpu.memory_space<vmem>>, %arg2: memref<32x128xf32, #tpu.memory_space<vmem>>, %arg3: memref<128x32xf32, #tpu.memory_space<vmem>>, %arg4: memref<16x2xf32, #tpu.memory_space<vmem>>, %arg5: memref<32x2xf32, #tpu.memory_space<vmem>>, %arg6: memref<2048x1xf32, #tpu.memory_space<vmem>>, %arg7: memref<16x1xf32, #tpu.memory_space<vmem>>, %arg8: memref<16x1xf32, #tpu.memory_space<vmem>>, %arg9: memref<1x16xi32, #tpu.memory_space<vmem>>, %arg10: memref<1x16xi32, #tpu.memory_space<vmem>>, %arg11: memref<16x1xi32, #tpu.memory_space<vmem>>, %arg12: memref<16x1xi32, #tpu.memory_space<vmem>>, %arg13: memref<128x256xf32, #tpu.memory_space<vmem>>, %arg14: memref<1x128xf32, #tpu.memory_space<vmem>>, %arg15: memref<16x128xf32, #tpu.memory_space<vmem>>, %arg16: memref<16x128xf32, #tpu.memory_space<vmem>>, %arg17: memref<16x128xf32, #tpu.memory_space<vmem>>) attributes {dimension_semantics = [#tpu.dimension_semantics<arbitrary>], iteration_bounds = array<i64: 8>, scalar_prefetch = 0 : i64, scratch_operands = 1 : i64, tpu.core_type = #tpu.core_type<tc>, window_params = [{transform_indices = @transform_0, window_bounds = array<i64: 2048, 128>}, {transform_indices = @transform_1, window_bounds = array<i64: 32, 128>}, {pipeline_mode = #tpu.pipeline_mode<synchronous>, transform_indices = @transform_2, window_bounds = array<i64: 128, 32>}, {pipeline_mode = #tpu.pipeline_mode<synchronous>, transform_indices = @transform_3, window_bounds = array<i64: 16, 2>}, {pipeline_mode = #tpu.pipeline_mode<synchronous>, transform_indices = @transform_4, window_bounds = array<i64: 32, 2>}, {transform_indices = @transform_5, window_bounds = array<i64: 2048, 1>}, {pipeline_mode = #tpu.pipeline_mode<synchronous>, transform_indices = @transform_6, window_bounds = array<i64: 16, 1>}, {pipeline_mode = #tpu.pipeline_mode<synchronous>, transform_indices = @transform_7, window_bounds = array<i64: 16, 1>}, {pipeline_mode = #tpu.pipeline_mode<synchronous>, transform_indices = @transform_8, window_bounds = array<i64: 1, 16>}, {pipeline_mode = #tpu.pipeline_mode<synchronous>, transform_indices = @transform_9, window_bounds = array<i64: 1, 16>}, {pipeline_mode = #tpu.pipeline_mode<synchronous>, transform_indices = @transform_10, window_bounds = array<i64: 16, 1>}, {pipeline_mode = #tpu.pipeline_mode<synchronous>, transform_indices = @transform_11, window_bounds = array<i64: 16, 1>}, {pipeline_mode = #tpu.pipeline_mode<synchronous>, transform_indices = @transform_12, window_bounds = array<i64: 128, 256>}, {pipeline_mode = #tpu.pipeline_mode<synchronous>, transform_indices = @transform_13, window_bounds = array<i64: 1, 128>}, {pipeline_mode = #tpu.pipeline_mode<synchronous>, transform_indices = @transform_14, window_bounds = array<i64: 16, 128>}, {pipeline_mode = #tpu.pipeline_mode<synchronous>, transform_indices = @transform_15, window_bounds = array<i64: 16, 128>}]} {
    %get3A = arith.constant 0 : index
    %get3A_0 = arith.constant 0 : index
    %get3A_1 = vector.load %arg1[%get3A, %get3A_0] : memref<2048x128xf32, #tpu.memory_space<vmem>>, vector<2048x128xf32>
    %get3A_2 = arith.constant 0 : index
    %get3A_3 = arith.constant 0 : index
    %get3A_4 = vector.load %arg6[%get3A_2, %get3A_3] : memref<2048x1xf32, #tpu.memory_space<vmem>>, vector<2048x1xf32>
    %iota3A = tpu.iota {dimensions = array<i32: 0>} : vector<2048x16xi32>
    %add3A = arith.constant 16384 : i32
    %add3A_5 = vector.broadcast %add3A : i32 to vector<2048x16xi32>
    %add3A_6 = arith.addi %iota3A, %add3A_5 : vector<2048x16xi32>
    %mul3A = arith.constant 2048 : i32
    %mul3A_7 = arith.muli %arg0, %mul3A : i32
    %add3A_8 = vector.broadcast %mul3A_7 : i32 to vector<2048x16xi32>
    %add3A_9 = arith.addi %add3A_6, %add3A_8 : vector<2048x16xi32>
    %get3A_10 = arith.constant 0 : index
    %get3A_11 = arith.constant 0 : index
    %get3A_12 = vector.load %arg9[%get3A_10, %get3A_11] : memref<1x16xi32, #tpu.memory_space<vmem>>, vector<1x16xi32>
    %ge3A = vector.broadcast %get3A_12 : vector<1x16xi32> to vector<2048x16xi32>
    %ge3A_13 = arith.cmpi sge, %add3A_9, %ge3A : vector<2048x16xi32>
    %get3A_14 = arith.constant 0 : index
    %get3A_15 = arith.constant 0 : index
    %get3A_16 = vector.load %arg10[%get3A_14, %get3A_15] : memref<1x16xi32, #tpu.memory_space<vmem>>, vector<1x16xi32>
    %lt3A = vector.broadcast %get3A_16 : vector<1x16xi32> to vector<2048x16xi32>
    %lt3A_17 = arith.cmpi slt, %add3A_9, %lt3A : vector<2048x16xi32>
    %and3A = arith.andi %ge3A_13, %lt3A_17 : vector<2048x16xi1>
    %convert_element_type3A = arith.extui %and3A : vector<2048x16xi1> to vector<2048x16xi32>
    %convert_element_type3A_18 = arith.sitofp %convert_element_type3A : vector<2048x16xi32> to vector<2048x16xf32>
    %get3A_19 = arith.constant 0 : index
    %get3A_20 = arith.constant 0 : index
    %get3A_21 = vector.load %arg7[%get3A_19, %get3A_20] : memref<16x1xf32, #tpu.memory_space<vmem>>, vector<16x1xf32>
    %get3A_22 = arith.constant 0 : index
    %get3A_23 = arith.constant 0 : index
    %get3A_24 = vector.load %arg8[%get3A_22, %get3A_23] : memref<16x1xf32, #tpu.memory_space<vmem>>, vector<16x1xf32>
    %add3A_25 = arith.addf %get3A_21, %get3A_24 : vector<16x1xf32>
    %dot_general3A = arith.constant dense<0.000000e+00> : vector<2048x1xf32>
    %dot_general3A_26 = tpu.matmul %convert_element_type3A_18, %add3A_25, %dot_general3A {dimension_numbers = #tpu.dot_dimension_numbers<[1], [0], [0], [1], [0, 0, 1, 1], [], []>, transpose_lhs_hint = false} : vector<2048x16xf32>, vector<16x1xf32>, vector<2048x1xf32> -> vector<2048x1xf32>
    %div3A = arith.divf %get3A_4, %dot_general3A_26 : vector<2048x1xf32>
    %get3A_27 = arith.constant 0 : index
    %get3A_28 = arith.constant 0 : index
    %get3A_29 = vector.load %arg3[%get3A_27, %get3A_28] : memref<128x32xf32, #tpu.memory_space<vmem>>, vector<128x32xf32>
    %dot_general3A_30 = arith.constant dense<0.000000e+00> : vector<2048x32xf32>
    %dot_general3A_31 = tpu.matmul %get3A_1, %get3A_29, %dot_general3A_30 {dimension_numbers = #tpu.dot_dimension_numbers<[1], [0], [0], [1], [0, 0, 1, 1], [], []>, transpose_lhs_hint = false} : vector<2048x128xf32>, vector<128x32xf32>, vector<2048x32xf32> -> vector<2048x32xf32>
    %concatenate3A = tpu.concatenate %convert_element_type3A_18, %convert_element_type3A_18 in 1 : vector<2048x16xf32>, vector<2048x16xf32> -> vector<2048x32xf32>
    %mul3A_32 = arith.mulf %dot_general3A_31, %concatenate3A : vector<2048x32xf32>
    %get3A_33 = arith.constant 0 : index
    %get3A_34 = arith.constant 0 : index
    %get3A_35 = vector.load %arg5[%get3A_33, %get3A_34] : memref<32x2xf32, #tpu.memory_space<vmem>>, vector<32x2xf32>
    %dot_general3A_36 = arith.constant dense<0.000000e+00> : vector<2048x2xf32>
    %dot_general3A_37 = tpu.matmul %mul3A_32, %get3A_35, %dot_general3A_36 {dimension_numbers = #tpu.dot_dimension_numbers<[1], [0], [0], [1], [0, 0, 1, 1], [], []>, transpose_lhs_hint = false} : vector<2048x32xf32>, vector<32x2xf32>, vector<2048x2xf32> -> vector<2048x2xf32>
    %get3A_38 = arith.constant 0 : index
    %get3A_39 = arith.constant 0 : index
    %get3A_40 = vector.load %arg4[%get3A_38, %get3A_39] : memref<16x2xf32, #tpu.memory_space<vmem>>, vector<16x2xf32>
    %dot_general3A_41 = arith.constant dense<0.000000e+00> : vector<2048x2xf32>
    %dot_general3A_42 = tpu.matmul %convert_element_type3A_18, %get3A_40, %dot_general3A_41 {dimension_numbers = #tpu.dot_dimension_numbers<[1], [0], [0], [1], [0, 0, 1, 1], [], []>, transpose_lhs_hint = false} : vector<2048x16xf32>, vector<16x2xf32>, vector<2048x2xf32> -> vector<2048x2xf32>
    %mul3A_43 = arith.mulf %get3A_1, %get3A_1 : vector<2048x128xf32>
    %broadcast_in_dim3A = arith.constant 1.000000e+00 : f32
    %broadcast_in_dim3A_44 = vector.broadcast %broadcast_in_dim3A : f32 to vector<128x1xf32>
    %dot_general3A_45 = arith.constant dense<0.000000e+00> : vector<2048x1xf32>
    %dot_general3A_46 = tpu.matmul %mul3A_43, %broadcast_in_dim3A_44, %dot_general3A_45 {dimension_numbers = #tpu.dot_dimension_numbers<[1], [0], [0], [1], [0, 0, 1, 1], [], []>, transpose_lhs_hint = false} : vector<2048x128xf32>, vector<128x1xf32>, vector<2048x1xf32> -> vector<2048x1xf32>
    %sqrt3A = math.sqrt %dot_general3A_46 : vector<2048x1xf32>
    %sqrt3A_47 = math.sqrt %dot_general3A_42 : vector<2048x2xf32>
    %mul3A_48 = vector.broadcast %sqrt3A : vector<2048x1xf32> to vector<2048x2xf32>
    %mul3A_49 = arith.mulf %mul3A_48, %sqrt3A_47 : vector<2048x2xf32>
    %add3A_50 = arith.constant 9.99999993E-9 : f32
    %add3A_51 = vector.broadcast %add3A_50 : f32 to vector<2048x2xf32>
    %add3A_52 = arith.addf %mul3A_49, %add3A_51 : vector<2048x2xf32>
    %div3A_53 = arith.divf %dot_general3A_37, %add3A_52 : vector<2048x2xf32>
    %slice3A = vector.extract_strided_slice %div3A_53 {offsets = [0, 0], sizes = [2048, 1], strides = [1, 1]} : vector<2048x2xf32> to vector<2048x1xf32>
    %slice3A_54 = vector.extract_strided_slice %div3A_53 {offsets = [0, 1], sizes = [2048, 1], strides = [1, 1]} : vector<2048x2xf32> to vector<2048x1xf32>
    %add3A_55 = arith.addf %slice3A, %slice3A_54 : vector<2048x1xf32>
    %mul3A_56 = arith.constant 5.000000e-01 : f32
    %mul3A_57 = vector.broadcast %mul3A_56 : f32 to vector<2048x1xf32>
    %mul3A_58 = arith.mulf %mul3A_57, %add3A_55 : vector<2048x1xf32>
    %sub3A = arith.constant 1.000000e+00 : f32
    %sub3A_59 = vector.broadcast %sub3A : f32 to vector<2048x1xf32>
    %sub3A_60 = arith.subf %sub3A_59, %mul3A_58 : vector<2048x1xf32>
    %mul3A_61 = arith.constant 5.000000e-01 : f32
    %mul3A_62 = vector.broadcast %mul3A_61 : f32 to vector<2048x1xf32>
    %mul3A_63 = arith.mulf %sub3A_60, %mul3A_62 : vector<2048x1xf32>
    %get3A_64 = arith.constant 0 : index
    %get3A_65 = arith.constant 0 : index
    %get3A_66 = vector.load %arg13[%get3A_64, %get3A_65] : memref<128x256xf32, #tpu.memory_space<vmem>>, vector<128x256xf32>
    %dot_general3A_67 = arith.constant dense<0.000000e+00> : vector<2048x256xf32>
    %dot_general3A_68 = tpu.matmul %get3A_1, %get3A_66, %dot_general3A_67 {dimension_numbers = #tpu.dot_dimension_numbers<[1], [0], [0], [1], [0, 0, 1, 1], [], []>, transpose_lhs_hint = false} : vector<2048x128xf32>, vector<128x256xf32>, vector<2048x256xf32> -> vector<2048x256xf32>
    %slice3A_69 = vector.extract_strided_slice %dot_general3A_68 {offsets = [0, 0], sizes = [2048, 128], strides = [1, 1]} : vector<2048x256xf32> to vector<2048x128xf32>
    %mul3A_70 = vector.broadcast %mul3A_63 : vector<2048x1xf32> to vector<2048x128xf32>
    %mul3A_71 = arith.mulf %mul3A_70, %slice3A_69 : vector<2048x128xf32>
    %slice3A_72 = vector.extract_strided_slice %dot_general3A_68 {offsets = [0, 128], sizes = [2048, 128], strides = [1, 1]} : vector<2048x256xf32> to vector<2048x128xf32>
    %mul3A_73 = vector.broadcast %div3A : vector<2048x1xf32> to vector<2048x128xf32>
    %mul3A_74 = arith.mulf %mul3A_73, %slice3A_72 : vector<2048x128xf32>
    %add3A_75 = arith.addf %mul3A_71, %mul3A_74 : vector<2048x128xf32>
    %get3A_76 = arith.constant 0 : index
    %get3A_77 = arith.constant 0 : index
    %get3A_78 = vector.load %arg14[%get3A_76, %get3A_77] : memref<1x128xf32, #tpu.memory_space<vmem>>, vector<1x128xf32>
    %add3A_79 = vector.broadcast %get3A_78 : vector<1x128xf32> to vector<2048x128xf32>
    %add3A_80 = arith.addf %add3A_75, %add3A_79 : vector<2048x128xf32>
    %max3A = arith.constant 0.000000e+00 : f32
    %max3A_81 = vector.broadcast %max3A : f32 to vector<2048x128xf32>
    %max3A_82 = arith.maximumf %add3A_80, %max3A_81 : vector<2048x128xf32>
    %dot_general3A_83 = arith.constant dense<0.000000e+00> : vector<16x128xf32>
    %dot_general3A_84 = tpu.matmul %convert_element_type3A_18, %max3A_82, %dot_general3A_83 {dimension_numbers = #tpu.dot_dimension_numbers<[0], [0], [1], [1], [0, 1, 1, 1], [], []>, transpose_lhs_hint = false} : vector<2048x16xf32>, vector<2048x128xf32>, vector<16x128xf32> -> vector<16x128xf32>
    %eq3A = arith.constant 0 : i32
    %eq3A_85 = arith.cmpi eq, %arg0, %eq3A : i32
    %convert_element_type3A_86 = arith.extui %eq3A_85 : i1 to i32
    %cond3A = arith.constant 0 : i32
    %cond3A_87 = arith.cmpi ne, %convert_element_type3A_86, %cond3A : i32
    scf.if %cond3A_87 {
      %get3A_97 = arith.constant 0 : index
      %get3A_98 = arith.constant 0 : index
      %get3A_99 = vector.load %arg15[%get3A_97, %get3A_98] : memref<16x128xf32, #tpu.memory_space<vmem>>, vector<16x128xf32>
      %add3A_100 = arith.addf %dot_general3A_84, %get3A_99 : vector<16x128xf32>
      %swap3A = arith.constant 0 : index
      %swap3A_101 = arith.constant 0 : index
      %swap3A_102 = vector.load %arg17[%swap3A, %swap3A_101] : memref<16x128xf32, #tpu.memory_space<vmem>>, vector<16x128xf32>
      tpu.vector_store %arg17[%swap3A, %swap3A_101], %add3A_100 {strides = array<i32>} : memref<16x128xf32, #tpu.memory_space<vmem>>, vector<16x128xf32>,
    } else {
    }
    %gt3A = arith.constant 0 : i32
    %gt3A_88 = arith.cmpi sgt, %arg0, %gt3A : i32
    %convert_element_type3A_89 = arith.extui %gt3A_88 : i1 to i32
    %cond3A_90 = arith.constant 0 : i32
    %cond3A_91 = arith.cmpi ne, %convert_element_type3A_89, %cond3A_90 : i32
    scf.if %cond3A_91 {
      %get3A_97 = arith.constant 0 : index
      %get3A_98 = arith.constant 0 : index
      %get3A_99 = vector.load %arg17[%get3A_97, %get3A_98] : memref<16x128xf32, #tpu.memory_space<vmem>>, vector<16x128xf32>
      %add3A_100 = arith.addf %get3A_99, %dot_general3A_84 : vector<16x128xf32>
      %swap3A = arith.constant 0 : index
      %swap3A_101 = arith.constant 0 : index
      %swap3A_102 = vector.load %arg17[%swap3A, %swap3A_101] : memref<16x128xf32, #tpu.memory_space<vmem>>, vector<16x128xf32>
      tpu.vector_store %arg17[%swap3A, %swap3A_101], %add3A_100 {strides = array<i32>} : memref<16x128xf32, #tpu.memory_space<vmem>>, vector<16x128xf32>,
    } else {
    }
    %eq3A_92 = arith.constant 7 : i32
    %eq3A_93 = arith.cmpi eq, %arg0, %eq3A_92 : i32
    %convert_element_type3A_94 = arith.extui %eq3A_93 : i1 to i32
    %cond3A_95 = arith.constant 0 : i32
    %cond3A_96 = arith.cmpi ne, %convert_element_type3A_94, %cond3A_95 : i32
    scf.if %cond3A_96 {
      %get3A_97 = arith.constant 0 : index
      %get3A_98 = arith.constant 0 : index
      %get3A_99 = vector.load %arg12[%get3A_97, %get3A_98] : memref<16x1xi32, #tpu.memory_space<vmem>>, vector<16x1xi32>
      %get3A_100 = arith.constant 0 : index
      %get3A_101 = arith.constant 0 : index
      %get3A_102 = vector.load %arg11[%get3A_100, %get3A_101] : memref<16x1xi32, #tpu.memory_space<vmem>>, vector<16x1xi32>
      %sub3A_103 = arith.subi %get3A_99, %get3A_102 : vector<16x1xi32>
      %convert_element_type3A_104 = arith.sitofp %sub3A_103 : vector<16x1xi32> to vector<16x1xf32>
      %get3A_105 = arith.constant 0 : index
      %get3A_106 = arith.constant 0 : index
      %get3A_107 = vector.load %arg17[%get3A_105, %get3A_106] : memref<16x128xf32, #tpu.memory_space<vmem>>, vector<16x128xf32>
      %mul3A_108 = arith.constant 1.000000e-03 : f32
      %mul3A_109 = vector.broadcast %mul3A_108 : f32 to vector<16x128xf32>
      %mul3A_110 = arith.mulf %get3A_107, %mul3A_109 : vector<16x128xf32>
      %max3A_111 = arith.constant 1.000000e+00 : f32
      %max3A_112 = vector.broadcast %max3A_111 : f32 to vector<16x1xf32>
      %max3A_113 = arith.maximumf %convert_element_type3A_104, %max3A_112 : vector<16x1xf32>
      %div3A_114 = vector.broadcast %max3A_113 : vector<16x1xf32> to vector<16x128xf32>
      %div3A_115 = arith.divf %mul3A_110, %div3A_114 : vector<16x128xf32>
      %get3A_116 = arith.constant 16 : index
      %get3A_117 = arith.constant 0 : index
      %get3A_118 = vector.load %arg2[%get3A_116, %get3A_117] : memref<32x128xf32, #tpu.memory_space<vmem>>, vector<16x128xf32>
      %add3A_119 = arith.addf %div3A_115, %get3A_118 : vector<16x128xf32>
      %get3A_120 = arith.constant 0 : index
      %get3A_121 = arith.constant 0 : index
      %get3A_122 = vector.load %arg2[%get3A_120, %get3A_121] : memref<32x128xf32, #tpu.memory_space<vmem>>, vector<16x128xf32>
      %sub3A_123 = arith.subf %add3A_119, %get3A_122 : vector<16x128xf32>
      %swap3A = arith.constant 0 : index
      %swap3A_124 = arith.constant 0 : index
      %swap3A_125 = vector.load %arg16[%swap3A, %swap3A_124] : memref<16x128xf32, #tpu.memory_space<vmem>>, vector<16x128xf32>
      tpu.vector_store %arg16[%swap3A, %swap3A_124], %sub3A_123 {strides = array<i32>} : memref<16x128xf32, #tpu.memory_space<vmem>>, vector<16x128xf32>,
    } else {
    }
    return
  }
  func.func @transform_0(%arg0: i32) -> (i32, i32) {
    %c0_i32 = arith.constant 0 : i32
    %c0_i32_0 = arith.constant 0 : i32
    return %arg0, %c0_i32 : i32, i32
  }
  func.func @transform_1(%arg0: i32) -> (i32, i32) {
    %c512_i32 = arith.constant 512 : i32
    %c0_i32 = arith.constant 0 : i32
    %c0_i32_0 = arith.constant 0 : i32
    return %c512_i32, %c0_i32 : i32, i32
  }
  func.func @transform_2(%arg0: i32) -> (i32, i32) {
    %c0_i32 = arith.constant 0 : i32
    %c0_i32_0 = arith.constant 0 : i32
    %c0_i32_1 = arith.constant 0 : i32
    return %c0_i32, %c0_i32_0 : i32, i32
  }
  func.func @transform_3(%arg0: i32) -> (i32, i32) {
    %c0_i32 = arith.constant 0 : i32
    %c0_i32_0 = arith.constant 0 : i32
    %c0_i32_1 = arith.constant 0 : i32
    return %c0_i32, %c0_i32_0 : i32, i32
  }
  func.func @transform_4(%arg0: i32) -> (i32, i32) {
    %c0_i32 = arith.constant 0 : i32
    %c0_i32_0 = arith.constant 0 : i32
    %c0_i32_1 = arith.constant 0 : i32
    return %c0_i32, %c0_i32_0 : i32, i32
  }
  func.func @transform_5(%arg0: i32) -> (i32, i32) {
    %c0_i32 = arith.constant 0 : i32
    %c0_i32_0 = arith.constant 0 : i32
    return %arg0, %c0_i32 : i32, i32
  }
  func.func @transform_6(%arg0: i32) -> (i32, i32) {
    %c0_i32 = arith.constant 0 : i32
    %c0_i32_0 = arith.constant 0 : i32
    %c0_i32_1 = arith.constant 0 : i32
    return %c0_i32, %c0_i32_0 : i32, i32
  }
  func.func @transform_7(%arg0: i32) -> (i32, i32) {
    %c0_i32 = arith.constant 0 : i32
    %c0_i32_0 = arith.constant 0 : i32
    %c0_i32_1 = arith.constant 0 : i32
    return %c0_i32, %c0_i32_0 : i32, i32
  }
  func.func @transform_8(%arg0: i32) -> (i32, i32) {
    %c0_i32 = arith.constant 0 : i32
    %c0_i32_0 = arith.constant 0 : i32
    %c0_i32_1 = arith.constant 0 : i32
    return %c0_i32, %c0_i32_0 : i32, i32
  }
  func.func @transform_9(%arg0: i32) -> (i32, i32) {
    %c0_i32 = arith.constant 0 : i32
    %c0_i32_0 = arith.constant 0 : i32
    %c0_i32_1 = arith.constant 0 : i32
    return %c0_i32, %c0_i32_0 : i32, i32
  }
  func.func @transform_10(%arg0: i32) -> (i32, i32) {
    %c0_i32 = arith.constant 0 : i32
    %c0_i32_0 = arith.constant 0 : i32
    %c0_i32_1 = arith.constant 0 : i32
    return %c0_i32, %c0_i32_0 : i32, i32
  }
  func.func @transform_11(%arg0: i32) -> (i32, i32) {
    %c0_i32 = arith.constant 0 : i32
    %c0_i32_0 = arith.constant 0 : i32
    %c0_i32_1 = arith.constant 0 : i32
    return %c0_i32, %c0_i32_0 : i32, i32
  }
  func.func @transform_12(%arg0: i32) -> (i32, i32) {
    %c0_i32 = arith.constant 0 : i32
    %c0_i32_0 = arith.constant 0 : i32
    %c0_i32_1 = arith.constant 0 : i32
    return %c0_i32, %c0_i32_0 : i32, i32
  }
  func.func @transform_13(%arg0: i32) -> (i32, i32) {
    %c0_i32 = arith.constant 0 : i32
    %c0_i32_0 = arith.constant 0 : i32
    %c0_i32_1 = arith.constant 0 : i32
    return %c0_i32, %c0_i32_0 : i32, i32
  }
  func.func @transform_14(%arg0: i32) -> (i32, i32) {
    %c0_i32 = arith.constant 0 : i32
    %c0_i32_0 = arith.constant 0 : i32
    %c0_i32_1 = arith.constant 0 : i32
    return %c0_i32, %c0_i32_0 : i32, i32
  }
  func.func @transform_15(%arg0: i32) -> (i32, i32) {
    %c0_i32 = arith.constant 0 : i32
    %c0_i32_0 = arith.constant 0 : i32
    %c0_i32_1 = arith.constant 0 : i32
    return %c0_i32, %c0_i32_0 : i32, i32
  }
}

</mosaic_0001>

<sc_bundles>
// kernel: kernel.11.cloned.1.call-start
scs
__scs_entry_jumppad:
0x0: {  	(pc) =	sbr.rel $0x88, $3  }
0x1: {  	(tag) =	ssettag $0x0;
	lr =	simm.s32 $0x1  }
0x2: {  	[smem:$0x3F97] =	sst lr;
	_ =	strace $0xD0000000  }
0x3: {  	_ = 	snop  }
0x4: {  	_ = 	snop  }
0x5: {  	_ = 	snop  }
0x6: {  	_ = 	snop  }
0x7: {  	_ = 	snop  }
__scs_overlays_trampoline_lowered:
0x8: {  	[smem:$0x3FA6] =	sst s0  }
0x9: {  	[smem:$0x3FA7] =	sst s1  }
0xa: {  	[smem:$0x3FA8] =	sst s2  }
0xb: {  	[smem:$0x3FA9] =	sst s3  }
0xc: {  	[smem:$0x3FAA] =	sst s4  }
0xd: {  	[smem:$0x3FAB] =	sst s5  }
0xe: {  	[smem:$0x3FAC] =	sst s6  }
0xf: {  	[smem:$0x3FAD] =	sst s7  }
0x10: {  	[smem:$0x3FAE] =	sst s8  }
0x11: {  	[smem:$0x3FAF] =	sst s9;
	s0 =	simm.s32 @!p0 $0x0  }
0x12: {  	s1 =	sld [smem:$0x3F95];
	s0 =	simm.s32 @p0 $0x1  }
0x13: {  	[smem:$0x3FB0] =	sst s0;
	s0 =	simm.s32 @!p1 $0x0  }
0x14: {  	s2 =	sld [smem:$0x3F94];
	s0 =	simm.s32 @p1 $0x1  }
0x15: {  	[smem:$0x3FB1] =	sst s0;
	s0 =	simm.s32 @!p2 $0x0  }
0x16: {  	s3 =	sld [smem:$0x3FDB];
	s0 =	simm.s32 @p2 $0x1  }
0x17: {  	s4 =	simm.s32 $0x1BF5;
	[smem:$0x3FB3] =	sst s0  }
0x18: {  	s0 =	sld [smem:$0x3F96];
	_ =	swait.ge [sflag:s4], $0x0  }
0x19: {  	s7 =	sld [smem:$0x3F97]  }
0x1a: {  	s8 =	sadd.s32 $0xFFFFE003, lr  }
0x1b: {  	s9 =	sadd.s32 $0xFFFFFEF7, lr;
	s5 =	simm.s32 $0xFFFFFFFF;
	p2 =	slt.u32 s8, $0xFFFFF086  }
0x1c: {  	p1 =	slt.u32 s9, $0xF7A;
	s5 =	simm.s32 @!p2 $0x0  }
0x1d: {  	s5 =	simm.s32 @p1 $0x1;
	p0 =	seq.s32 s7, s2  }
0x1e: {  	s7 =	smul.u32 @!p0 $0xF7A, s2;
	p2 =	seq.s32 @!p0 s5, $0x0  }
0x1f: {  	s9 =	smul.u32 $0xF7A, s1;
	s8 =	simm.s32 @!p0 $0x1BF5;
	p2 =	por !p2, p0  }
0x20: {  	[sflag:s8] =	ssyncset.s32 @!p0 $0xFFFFF086;
	s6 =	sadd.s32 @!p0 s3, s7;
	s7 =	simm.s32 @!p0 $0x108  }
0x21: {  	s3 =	sadd.s32 s3, s9;
	s6 =	sadd.s32 @!p0 $0x88, s6;
	s7 =	simm.s32 @p2 $0x1082  }
0x22: {  	[simem:s7], [sflag:s8] =	dma.local @!p0 [hbm:s6], $0xF7A  }
0x23: {  	s9 =	sor.u32 $0xD0000000, s2;
	s6 =	simm.s32 $0x108;
	_ =	swait.ge @!p0 [sflag:s8], $0x0  }
0x24: {  	s3 =	sadd.s32 $0x88, s3;
	s6 =	simm.s32 @!p1 $0x1082;
	[sflag:s4] =	ssyncset.s32 $0xFFFFF086  }
0x25: {  	[simem:s6], [sflag:s4] =	dma.local [hbm:s3], $0xF7A  }
0x26: {  	[smem:$0x3F97] =	sst s1;
	(tag) =	ssettag s2;
	_ =	strace s9  }
0x27: {  	s1 =	sld [smem:$0x3FA7]  }
0x28: {  	s2 =	sld [smem:$0x3FA8]  }
0x29: {  	s4 =	sld [smem:$0x3FAA]  }
0x2a: {  	p0 =	seq.s32 s5, $0x0;
	s5 =	sld [smem:$0x3FAB]  }
0x2b: {  	s6 =	sld [smem:$0x3FAC]  }
0x2c: {  	s7 =	sld [smem:$0x3FAD]  }
0x2d: {  	s3 =	simm.s32 $0x108;
	s8 =	sld [smem:$0x3FAE]  }
0x2e: {  	s3 =	simm.s32 @!p0 $0x1082;
	s9 =	sld [smem:$0x3FAF]  }
0x2f: {  	lr =	sadd.s32 s0, s3;
	s0 =	sld [smem:$0x3FA6]  }
0x30: {  	s3 =	sld [smem:$0x3FA9]  }
0x31: {  	[smem:$0x3FB2] =	sst s10  }
0x32: {  	s10 =	sld [smem:$0x3FB0];
	_ =	sdelay $0x3  }
0x33: {  	p0 =	seq.s32 s10, $0x1;
	s10 =	sld [smem:$0x3FB2];
	_ =	sdelay $0x3  }
0x34: {  	[smem:$0x3FB2] =	sst s10  }
0x35: {  	s10 =	sld [smem:$0x3FB1];
	_ =	sdelay $0x3  }
0x36: {  	p1 =	seq.s32 s10, $0x1;
	s10 =	sld [smem:$0x3FB2];
	_ =	sdelay $0x3  }
0x37: {  	[smem:$0x3FB2] =	sst s10  }
0x38: {  	s10 =	sld [smem:$0x3FB3]  }
0x39: {  	_ = 	snop;
	(pc) =	sbr.ind lr, $3  }
0x3a: {  	_ = 	snop  }
0x3b: {  	_ = 	snop  }
0x3c: {  	p2 =	seq.s32 s10, $0x1;
	s10 =	sld [smem:$0x3FB2]  }
0x3d: {  	_ =	shalt  }
0x3e: {  	_ =	shalt  }
0x3f: {  	_ =	shalt  }
0x40: {  	_ =	shalt  }
0x41: {  	_ =	shalt  }
0x42: {  	_ =	shalt  }
0x43: {  	_ =	shalt  }
0x44: {  	_ =	shalt  }
0x45: {  	_ =	shalt  }
0x46: {  	_ =	shalt  }
0x47: {  	_ =	shalt  }
0x48: {  	_ =	shalt  }
0x49: {  	_ =	shalt  }
0x4a: {  	_ =	shalt  }
0x4b: {  	_ =	shalt  }
0x4c: {  	_ =	shalt  }
0x4d: {  	_ =	shalt  }
0x4e: {  	_ =	shalt  }
0x4f: {  	_ =	shalt  }
0x50: {  	_ =	shalt  }
0x51: {  	_ =	shalt  }
0x52: {  	_ =	shalt  }
0x53: {  	_ =	shalt  }
0x54: {  	_ =	shalt  }
0x55: {  	_ =	shalt  }
0x56: {  	_ =	shalt  }
0x57: {  	_ =	shalt  }
0x58: {  	_ =	shalt  }
0x59: {  	_ =	shalt  }
0x5a: {  	_ =	shalt  }
0x5b: {  	_ =	shalt  }
0x5c: {  	_ =	shalt  }
0x5d: {  	_ =	shalt  }
0x5e: {  	_ =	shalt  }
0x5f: {  	_ =	shalt  }
0x60: {  	_ =	shalt  }
0x61: {  	_ =	shalt  }
0x62: {  	_ =	shalt  }
0x63: {  	_ =	shalt  }
0x64: {  	_ =	shalt  }
0x65: {  	_ =	shalt  }
0x66: {  	_ =	shalt  }
0x67: {  	_ =	shalt  }
0x68: {  	_ =	shalt  }
0x69: {  	_ =	shalt  }
0x6a: {  	_ =	shalt  }
0x6b: {  	_ =	shalt  }
0x6c: {  	_ =	shalt  }
0x6d: {  	_ =	shalt  }
0x6e: {  	_ =	shalt  }
0x6f: {  	_ =	shalt  }
0x70: {  	_ =	shalt  }
0x71: {  	_ =	shalt  }
0x72: {  	_ =	shalt  }
0x73: {  	_ =	shalt  }
0x74: {  	_ =	shalt  }
0x75: {  	_ =	shalt  }
0x76: {  	_ =	shalt  }
0x77: {  	_ =	shalt  }
0x78: {  	_ =	shalt  }
0x79: {  	_ =	shalt  }
0x7a: {  	_ =	shalt  }
0x7b: {  	_ =	shalt  }
0x7c: {  	_ =	shalt  }
0x7d: {  	_ =	shalt  }
0x7e: {  	_ =	shalt  }
0x7f: {  	_ =	shalt  }
0x80: {  	_ =	shalt  }
0x81: {  	_ =	shalt  }
0x82: {  	_ =	shalt  }
0x83: {  	_ =	shalt  }
0x84: {  	_ =	shalt  }
0x85: {  	_ =	shalt  }
0x86: {  	_ =	shalt  }
0x87: {  	_ =	shalt  }
.Lfunc_end0:
.L_simem_size_0:
called_computation.1_lowered:
.L_overlay_start_0:
0x88: {  	s2 =	sld [smem:$0x3FD9]  }
0x89: {  	s3 =	sld [smem:$0x3FFE];
	_ =	sdelay $0x1  }
0x8a: {  	s1 =	srdreg.scid  }
0x8b: {  	s0 =	sand.u32 $0x1, s1  }
0x8c: {  	s17 =	sshll.u32 s0, $0xA;
	s2 =	sadd.s32 s3, s2  }
0x8d: {  	s2 =	sadd.s32 s2, s17  }
0x8e: {  	[smem:$0x3FBE] =	sst s2  }
0x8f: {  	_ = 	snop  }
0x90: {  	s2 =	sld [smem:$0x3FC9];
	(tm) =	ssettm $0x1  }
0x91: {  	s18 =	sld [smem:$0x3FFB];
	_ =	sdelay $0x3  }
0x92: {  	_ =	strace s18  }
0x93: {  	s3 =	sld [smem:$0x3FFC];
	_ =	sdelay $0x3  }
0x94: {  	_ =	strace s3  }
0x95: {  	s3 =	sld [smem:$0x3FFD];
	_ =	sdelay $0x3  }
0x96: {  	_ =	strace s3  }
0x97: {  	_ =	strace $0x8FFFFFFF  }
0x98: {  	s19 =	sld [smem:$0x3FDB];
	_ =	sdelay $0x1  }
0x99: {  	s4 =	simm.s32 $_scs_section_size  }
0x9a: {  	s5 =	simm.s32 $_size__tile_overlayer_lowered;
	s6 =	simm.s32 $_tile_overlayer_lowered  }
0x9b: {  	s22 =	simm.s32 $0x1BFF;
	s21 =	sshll.u32 s6, $0x1;
	s3 =	sadd.s32 s4, s19  }
0x9c: {  	s7 =	simm.s32 $0x0;
	s20 =	sshll.u32 s5, $0x1;
	s5 =	sadd.s32 s21, s3  }
0x9d: {  	[timem:s7], [sflag:s22] =	dma.local [hbm:s5], s20  }
0x9e: {  	_ =	swait.ge [sflag:s22], s20  }
0x9f: {  	s4 =	ssub.s32 $0x0, s20;
	[sflag:s22] =	ssyncset.done $0x0  }
0xa0: {  	[sflag:s22] =	ssyncadd.s32 s4;
	_ =	sdelay $0x1  }
0xa1: {  	s23 =	simm.s32 $0x1B8B  }
0xa2: {  	_ =	swait.ge [sflag:s23], $0x1  }
0xa3: {  	[sflag:s23] =	ssyncset.done $0x0  }
0xa4: {  	s25 =	simm.s32 $0x1B8E;
	s24 =	sld [smem:$0x3FFE];
	[sflag:s23] =	ssyncadd.s32 $0xFFFFFFFF  }
0xa5: {  	s26 =	simm.s32 $execute0_lowered;
	[smem:$0x3FD2] =	sst s25  }
0xa6: {  	s5 =	sshll.u32 s26, $0x1;
	_ =	strace $0x80000046;
	[dreg:$0x1] =	wrdreg $0xFFFFFFFF  }
0xa7: {  	s28 =	simm.s32 $_size_execute0_lowered;
	s3 =	sadd.s32 s3, s5;
	[dreg:$0x0] =	wrdreg $0x0  }
0xa8: {  	s5 =	sshll.u32 s28, $0x1;
	[dreg:$0x2] =	wrdreg s3  }
0xa9: {  	[dreg:$0x3] =	wrdreg s5  }
0xaa: {  	[dreg:$0x4] =	wrdreg $0xC0  }
0xab: {  	_ =	task [dreg:s7], $0x5FFFF  }
0xac: {  	[dreg:$0x1] =	wrdreg $0xFFFFFFFF  }
0xad: {  	[dreg:$0x0] =	wrdreg $0x60  }
0xae: {  	[dreg:$0x2] =	wrdreg s2  }
0xaf: {  	[dreg:$0x3] =	wrdreg s24  }
0xb0: {  	[dreg:$0x4] =	wrdreg $0xA  }
0xb1: {  	_ =	task.clear_ibuf [dreg:s7], $0x5FFFF;
	_ =	strace $0x90000046  }
0xb2: {  	s29 =	simm.s32 $0xA;
	_ =	strace $0x80000048  }
0xb3: {  	_ =	swait.ge [sflag:s29], $0x1  }
0xb4: {  	[sflag:s29] =	ssyncadd.s32 $0xFFFFFFFF  }
0xb5: {  	_ =	strace $0x90000048  }
0xb6: {  	_ =	sfence  }
0xb7: {  	s30 =	sld [smem:$0x0];
	_ =	sdelay $0x2  }
0xb8: {  	s31 =	sshll.u32 s1, $0xD;
	s1 =	sshrl.u32 s1, $0x2  }
0xb9: {  	s3 =	sand.u32 $0x4000, s31;
	s1 =	sadd.s32 s1, s30  }
0xba: {  	s0 =	sor.u32 s3, s0;
	s1 =	sshll.u32 s1, $0x11  }
0xbb: {  	s0 =	sor.u32 s1, s0  }
0xbc: {  	s0 =	sadd.s32 $0x8F2B, s0  }
0xbd: {  	[sflag:s0] =	ssyncadd.remote.s32 $0x1  }
0xbe: {  	_ =	sfence.sel $0xFFFF  }
0xbf: {  	[dreg:$0x0] =	wrdreg $0xFFFFFFFF;
	(pc) =	sbr.abs _section_cstart, $3  }
0xc0: {  	[dreg:$0x1] =	wrdreg $0xFFFFFFFF  }
0xc1: {  	_ =	task.clear_ibuf [dreg:s7], $0x2FFFF;
	_ =	strace $0x9FFFFFFF  }
0xc2: {  	(tm) =	ssettm $0x7FFFFFFF  }
0xc3: {  	_ =	shalt  }
tec
execute0_lowered:
.L_overlay_start_1:
0x0: {  	(tag) =	ssettag $0x1  }
0x1: {  	s1 =	srdreg.scid;
	s0 =	stileid.u32  }
0x2: {  	s29 =	sand.u32 $0x1, s1;
	s25 =	sshll.u32 s0, $0x1  }
0x3: {  	s17 =	sor.u32 s29, s25  }
0x4: {  	s2 =	rddreg [dreg:$0x0];
	s4 =	smul.u32 $0x46, s17  }
0x5: {  	s16 =	rddreg [dreg:$0x1];
	s3 =	simm.s32 $0x0  }
0x6: {  	s5 =	simm.s32 $0xB;
	[smem:$0x7FF] =	sst s3;
	s4 =	sadd.s32 s4, s16  }
0x7: {  	s1 =	rddreg [dreg:$0x2];
	_ =	strace $0x80000047;
	s4 =	sadd.s32 $0x2E00, s4  }
0x8: {  	[tilespmem:s3], [sflag:$0xB] =	stream.linear.gather [hbm4b:s4+s3], $0x230, $0x38;
	[tilespmem:$0x11A80] =	vst v63  }
0x9: {  	_ =	swait.ge [sflag:s5], $0x230  }
0xa: {  	[sflag:s5] =	ssyncset.done $0x0  }
0xb: {  	s6 =	simm.s32 $0x70;
	s7 =	simm.s32 $0x280;
	[sflag:s5] =	ssyncadd.s32 $0xFFFFFDD0  }
0xc: {  	[tilespmem:s7], [sflag:$0x1] =	stream.indirect.gather [hbm4b:s2+s6], $0x80, s3, s6, $0xb8;
	[tilespmem:$0x11A80] =	vst v63  }
0xd: {  	s8 =	simm.s32 $0x3A80  }
0xe: {  	[tilespmem:s8], [sflag:$0x2] =	stream.indirect.gather [hbm4b:s2+s6], $0x80, s6, s6, $0xb8;
	[tilespmem:$0x11A80] =	vst v63  }
0xf: {  	s9 =	simm.s32 $0xE0;
	s10 =	simm.s32 $0x7280  }
0x10: {  	[tilespmem:s10], [sflag:$0x3] =	stream.indirect.gather [hbm4b:s2+s6], $0x80, s9, s6, $0xb8;
	[tilespmem:$0x11A80] =	vst v63  }
0x11: {  	s11 =	simm.s32 $0x150;
	s12 =	simm.s32 $0xAA80  }
0x12: {  	[tilespmem:s12], [sflag:$0x4] =	stream.indirect.gather [hbm4b:s2+s6], $0x80, s11, s6, $0xb8;
	[tilespmem:$0x11A80] =	vst v63  }
0x13: {  	s13 =	simm.s32 $0x1C0;
	s14 =	simm.s32 $0xE280;
	s15 =	simm.s32 $0x1  }
0x14: {  	[tilespmem:s14], [sflag:$0x5] =	stream.indirect.gather [hbm4b:s2+s6], $0x80, s13, s6, $0xb8;
	[tilespmem:$0x11A80] =	vst v63  }
0x15: {  	s18 =	smul.u32 $0x2300, s17;
	_ =	swait.ge [sflag:s15], $0x3800  }
0x16: {  	s19 =	sadd.s32 $0x3800, s16;
	s26 =	smul.u32 $0x11800, s17;
	[sflag:s15] =	ssyncset.done $0x0  }
0x17: {  	s17 =	simm.s32 $0x2;
	s16 =	sadd.s32 s19, s18;
	[sflag:s15] =	ssyncadd.s32 $0xFFFFC800  }
0x18: {  	[hbm4b:s16+s3] =	stream.linear.scatter [tilespmem:s7], [sflag:$0x6], $0x3800, $0x38;
	[tilespmem:$0x11A80] =	vst v63  }
0x19: {  	s18 =	sshrl.u32 s26, $0x3;
	_ =	swait.ge [sflag:s17], $0x3800  }
0x1a: {  	s24 =	sadd.s32 s19, s18;
	[sflag:s17] =	ssyncset.done $0x0  }
0x1b: {  	s19 =	simm.s32 $0x3;
	s18 =	sadd.s32 $0x700, s24;
	[sflag:s17] =	ssyncadd.s32 $0xFFFFC800  }
0x1c: {  	[hbm4b:s18+s3] =	stream.linear.scatter [tilespmem:s8], [sflag:$0x7], $0x3800, $0x38;
	[tilespmem:$0x11A80] =	vst v63  }
0x1d: {  	_ =	swait.ge [sflag:s19], $0x3800  }
0x1e: {  	[sflag:s19] =	ssyncset.done $0x0  }
0x1f: {  	s21 =	simm.s32 $0x4;
	s20 =	sadd.s32 $0xE00, s24;
	[sflag:s19] =	ssyncadd.s32 $0xFFFFC800  }
0x20: {  	[hbm4b:s20+s3] =	stream.linear.scatter [tilespmem:s10], [sflag:$0x8], $0x3800, $0x38;
	[tilespmem:$0x11A80] =	vst v63  }
0x21: {  	_ =	swait.ge [sflag:s21], $0x3800  }
0x22: {  	[sflag:s21] =	ssyncset.done $0x0  }
0x23: {  	s23 =	simm.s32 $0x5;
	s22 =	sadd.s32 $0x1500, s24;
	[sflag:s21] =	ssyncadd.s32 $0xFFFFC800  }
0x24: {  	[hbm4b:s22+s3] =	stream.linear.scatter [tilespmem:s12], [sflag:$0x9], $0x3800, $0x38;
	[tilespmem:$0x11A80] =	vst v63  }
0x25: {  	_ =	swait.ge [sflag:s23], $0x3800  }
0x26: {  	[sflag:s23] =	ssyncset.done $0x0  }
0x27: {  	s25 =	simm.s32 $0x6;
	s24 =	sadd.s32 $0x1C00, s24;
	[sflag:s23] =	ssyncadd.s32 $0xFFFFC800  }
0x28: {  	[hbm4b:s24+s3] =	stream.linear.scatter [tilespmem:s14], [sflag:$0xA], $0x3800, $0x38;
	[tilespmem:$0x11A80] =	vst v63  }
0x29: {  	_ =	swait.ge [sflag:s25], $0x3800  }
0x2a: {  	[sflag:s25] =	ssyncset.done $0x0  }
0x2b: {  	s26 =	simm.s32 $0x7;
	[sflag:s25] =	ssyncadd.s32 $0xFFFFC800  }
0x2c: {  	_ =	swait.ge [sflag:s26], $0x3800  }
0x2d: {  	s30 =	ssub.s32 $0x2, s29;
	[sflag:s26] =	ssyncset.done $0x0  }
0x2e: {  	s28 =	simm.s32 $0x8;
	s31 =	sshrl.u32 s30, $0x1;
	[sflag:s26] =	ssyncadd.s32 $0xFFFFC800  }
0x2f: {  	s30 =	ssub.s32 s30, s31;
	_ =	swait.ge [sflag:s28], $0x3800  }
0x30: {  	s31 =	smax.u32 s30, $0x1;
	[sflag:s28] =	ssyncset.done $0x0  }
0x31: {  	s29 =	simm.s32 $0x9;
	p0 =	sne.s32 s31, $0x1;
	[sflag:s28] =	ssyncadd.s32 $0xFFFFC800  }
.Ltmp0:
0x32: {  	_ =	swait.ge [sflag:s29], $0x3800;
	(pc) =	sbr.rel @!p0 .LBB2_2-.Ltmp0, $4  }
0x33: {  	[sflag:s29] =	ssyncset.done $0x0  }
0x34: {  	s30 =	simm.s32 $0xA;
	[sflag:s29] =	ssyncadd.s32 $0xFFFFC800  }
0x35: {  	_ =	swait.ge [sflag:s30], $0x3800  }
0x36: {  	s31 =	sadd.s32 $0xFFFFFFFF, s31;
	[sflag:s30] =	ssyncset.done $0x0  }
.LBB2_1:
0x37: {  	p0 =	sne.s32 s31, $0x1;
	s31 =	sadd.s32 $0xFFFFFFFF, s31;
	[sflag:s30] =	ssyncadd.s32 $0xFFFFC800  }
0x38: {  	[tilespmem:s3], [sflag:$0xB] =	stream.linear.gather [hbm4b:s4+s3], $0x230, $0x38;
	[tilespmem:$0x11A80] =	vst v63  }
0x39: {  	_ =	swait.ge [sflag:s5], $0x230  }
0x3a: {  	[sflag:s5] =	ssyncset.done $0x0  }
0x3b: {  	[sflag:s5] =	ssyncadd.s32 $0xFFFFFDD0  }
0x3c: {  	[tilespmem:s7], [sflag:$0x1] =	stream.indirect.gather [hbm4b:s2+s6], $0x80, s3, s6, $0xb8;
	[tilespmem:$0x11A80] =	vst v63  }
0x3d: {  	_ = 	snop  }
0x3e: {  	[tilespmem:s8], [sflag:$0x2] =	stream.indirect.gather [hbm4b:s2+s6], $0x80, s6, s6, $0xb8;
	[tilespmem:$0x11A80] =	vst v63  }
0x3f: {  	_ = 	snop  }
0x40: {  	[tilespmem:s10], [sflag:$0x3] =	stream.indirect.gather [hbm4b:s2+s6], $0x80, s9, s6, $0xb8;
	[tilespmem:$0x11A80] =	vst v63  }
0x41: {  	_ = 	snop  }
0x42: {  	[tilespmem:s12], [sflag:$0x4] =	stream.indirect.gather [hbm4b:s2+s6], $0x80, s11, s6, $0xb8;
	[tilespmem:$0x11A80] =	vst v63  }
0x43: {  	_ = 	snop  }
0x44: {  	[tilespmem:s14], [sflag:$0x5] =	stream.indirect.gather [hbm4b:s2+s6], $0x80, s13, s6, $0xb8;
	[tilespmem:$0x11A80] =	vst v63  }
0x45: {  	_ =	swait.ge [sflag:s15], $0x3800  }
0x46: {  	[sflag:s15] =	ssyncset.done $0x0  }
0x47: {  	[sflag:s15] =	ssyncadd.s32 $0xFFFFC800  }
0x48: {  	[hbm4b:s16+s3] =	stream.linear.scatter [tilespmem:s7], [sflag:$0x6], $0x3800, $0x38;
	[tilespmem:$0x11A80] =	vst v63  }
0x49: {  	_ =	swait.ge [sflag:s17], $0x3800  }
0x4a: {  	[sflag:s17] =	ssyncset.done $0x0  }
0x4b: {  	[sflag:s17] =	ssyncadd.s32 $0xFFFFC800  }
0x4c: {  	[hbm4b:s18+s3] =	stream.linear.scatter [tilespmem:s8], [sflag:$0x7], $0x3800, $0x38;
	[tilespmem:$0x11A80] =	vst v63  }
0x4d: {  	_ =	swait.ge [sflag:s19], $0x3800  }
0x4e: {  	[sflag:s19] =	ssyncset.done $0x0  }
0x4f: {  	[sflag:s19] =	ssyncadd.s32 $0xFFFFC800  }
0x50: {  	[hbm4b:s20+s3] =	stream.linear.scatter [tilespmem:s10], [sflag:$0x8], $0x3800, $0x38;
	[tilespmem:$0x11A80] =	vst v63  }
0x51: {  	_ =	swait.ge [sflag:s21], $0x3800  }
0x52: {  	[sflag:s21] =	ssyncset.done $0x0  }
0x53: {  	[sflag:s21] =	ssyncadd.s32 $0xFFFFC800  }
0x54: {  	[hbm4b:s22+s3] =	stream.linear.scatter [tilespmem:s12], [sflag:$0x9], $0x3800, $0x38;
	[tilespmem:$0x11A80] =	vst v63  }
0x55: {  	_ =	swait.ge [sflag:s23], $0x3800  }
0x56: {  	[sflag:s23] =	ssyncset.done $0x0  }
0x57: {  	[sflag:s23] =	ssyncadd.s32 $0xFFFFC800  }
0x58: {  	[hbm4b:s24+s3] =	stream.linear.scatter [tilespmem:s14], [sflag:$0xA], $0x3800, $0x38;
	[tilespmem:$0x11A80] =	vst v63  }
0x59: {  	_ =	swait.ge [sflag:s25], $0x3800  }
0x5a: {  	[sflag:s25] =	ssyncset.done $0x0  }
0x5b: {  	[sflag:s25] =	ssyncadd.s32 $0xFFFFC800  }
0x5c: {  	_ =	swait.ge [sflag:s26], $0x3800  }
0x5d: {  	[sflag:s26] =	ssyncset.done $0x0  }
0x5e: {  	[sflag:s26] =	ssyncadd.s32 $0xFFFFC800  }
0x5f: {  	_ =	swait.ge [sflag:s28], $0x3800  }
0x60: {  	[sflag:s28] =	ssyncset.done $0x0  }
0x61: {  	[sflag:s28] =	ssyncadd.s32 $0xFFFFC800  }
.Ltmp1:
0x62: {  	_ =	swait.ge [sflag:s29], $0x3800;
	(pc) =	sbr.rel @p0 .LBB2_1-.Ltmp1, $4  }
0x63: {  	[sflag:s29] =	ssyncset.done $0x0  }
0x64: {  	[sflag:s29] =	ssyncadd.s32 $0xFFFFC800  }
0x65: {  	_ =	swait.ge [sflag:s30], $0x3800  }
0x66: {  	[sflag:s30] =	ssyncset.done $0x0  }
.LBB2_2:
0x67: {  	[sflag:s30] =	ssyncadd.s32 $0xFFFFC800  }
0x68: {  	_ =	sfence.sel $0x180000  }
0x69: {  	[bflag:$0x0] =	sbarrier.arrive $0xFFFF  }
0x6a: {  	p0 =	sne.s32 s0, $0x0;
	_ =	strace $0x90000047  }
0x6b: {  	s0 =	sadd.s32 @!p0 $0x100000, s1;
	[bflag:$0x2] =	sbarrier.arrive $0xFFFF  }
0x6c: {  	[sflag:s0] =	ssyncadd.tile.s32 @!p0 $0x1;
	_ =	shalt  }
.Lfunc_end2:
_tile_overlayer_lowered:
.L_overlay_start_2:
0x6d: {  	(tag) =	ssettag $0x2  }
0x6e: {  	s0 =	rddreg [dreg:$0x0];
	s2 =	stileid.u32  }
0x6f: {  	s1 =	rddreg [dreg:$0x1];
	p0 =	sne.s32 s2, $0x0  }
0x70: {  	s3 =	rddreg [dreg:$0x2];
	[bflag:$0x3] =	sbarrier.arrive $0xFFFF;
	s2 =	simm.s32 @!p0 $0x1C0B  }
0x71: {  	[timem:s3], [sflag:s2] =	dma.local @!p0 [hbm:s0], s1  }
0x72: {  	s0 =	simm.s32 @!p0 $0xB  }
0x73: {  	_ =	swait.ge @!p0 [sflag:s0], s1  }
0x74: {  	s1 =	ssub.s32 @!p0 $0x0, s1;
	[sflag:s0] =	ssyncset.done @!p0 $0x0  }
0x75: {  	[sflag:s0] =	ssyncadd.s32 @!p0 s1  }
0x76: {  	[bflag:$0x3] =	sbarrier.arrive $0xFFFF  }
0x77: {  	_ =	shalt  }

// kernel: kernel.8.cloned.1.call-start
scs
__scs_entry_jumppad:
0x0: {  	(pc) =	sbr.rel $0x88, $3  }
0x1: {  	(tag) =	ssettag $0x0;
	lr =	simm.s32 $0x1  }
0x2: {  	[smem:$0x3F97] =	sst lr;
	_ =	strace $0xD0000000  }
0x3: {  	_ = 	snop  }
0x4: {  	_ = 	snop  }
0x5: {  	_ = 	snop  }
0x6: {  	_ = 	snop  }
0x7: {  	_ = 	snop  }
__scs_overlays_trampoline_lowered:
0x8: {  	[smem:$0x3FA6] =	sst s0  }
0x9: {  	[smem:$0x3FA7] =	sst s1  }
0xa: {  	[smem:$0x3FA8] =	sst s2  }
0xb: {  	[smem:$0x3FA9] =	sst s3  }
0xc: {  	[smem:$0x3FAA] =	sst s4  }
0xd: {  	[smem:$0x3FAB] =	sst s5  }
0xe: {  	[smem:$0x3FAC] =	sst s6  }
0xf: {  	[smem:$0x3FAD] =	sst s7  }
0x10: {  	[smem:$0x3FAE] =	sst s8  }
0x11: {  	[smem:$0x3FAF] =	sst s9;
	s0 =	simm.s32 @!p0 $0x0  }
0x12: {  	s1 =	sld [smem:$0x3F95];
	s0 =	simm.s32 @p0 $0x1  }
0x13: {  	[smem:$0x3FB0] =	sst s0;
	s0 =	simm.s32 @!p1 $0x0  }
0x14: {  	s2 =	sld [smem:$0x3F94];
	s0 =	simm.s32 @p1 $0x1  }
0x15: {  	[smem:$0x3FB1] =	sst s0;
	s0 =	simm.s32 @!p2 $0x0  }
0x16: {  	s3 =	sld [smem:$0x3FDB];
	s0 =	simm.s32 @p2 $0x1  }
0x17: {  	s4 =	simm.s32 $0x1BF5;
	[smem:$0x3FB3] =	sst s0  }
0x18: {  	s0 =	sld [smem:$0x3F96];
	_ =	swait.ge [sflag:s4], $0x0  }
0x19: {  	s7 =	sld [smem:$0x3F97]  }
0x1a: {  	s8 =	sadd.s32 $0xFFFFE003, lr  }
0x1b: {  	s9 =	sadd.s32 $0xFFFFFEF7, lr;
	s5 =	simm.s32 $0xFFFFFFFF;
	p2 =	slt.u32 s8, $0xFFFFF086  }
0x1c: {  	p1 =	slt.u32 s9, $0xF7A;
	s5 =	simm.s32 @!p2 $0x0  }
0x1d: {  	s5 =	simm.s32 @p1 $0x1;
	p0 =	seq.s32 s7, s2  }
0x1e: {  	s7 =	smul.u32 @!p0 $0xF7A, s2;
	p2 =	seq.s32 @!p0 s5, $0x0  }
0x1f: {  	s9 =	smul.u32 $0xF7A, s1;
	s8 =	simm.s32 @!p0 $0x1BF5;
	p2 =	por !p2, p0  }
0x20: {  	[sflag:s8] =	ssyncset.s32 @!p0 $0xFFFFF086;
	s6 =	sadd.s32 @!p0 s3, s7;
	s7 =	simm.s32 @!p0 $0x108  }
0x21: {  	s3 =	sadd.s32 s3, s9;
	s6 =	sadd.s32 @!p0 $0x88, s6;
	s7 =	simm.s32 @p2 $0x1082  }
0x22: {  	[simem:s7], [sflag:s8] =	dma.local @!p0 [hbm:s6], $0xF7A  }
0x23: {  	s9 =	sor.u32 $0xD0000000, s2;
	s6 =	simm.s32 $0x108;
	_ =	swait.ge @!p0 [sflag:s8], $0x0  }
0x24: {  	s3 =	sadd.s32 $0x88, s3;
	s6 =	simm.s32 @!p1 $0x1082;
	[sflag:s4] =	ssyncset.s32 $0xFFFFF086  }
0x25: {  	[simem:s6], [sflag:s4] =	dma.local [hbm:s3], $0xF7A  }
0x26: {  	[smem:$0x3F97] =	sst s1;
	(tag) =	ssettag s2;
	_ =	strace s9  }
0x27: {  	s1 =	sld [smem:$0x3FA7]  }
0x28: {  	s2 =	sld [smem:$0x3FA8]  }
0x29: {  	s4 =	sld [smem:$0x3FAA]  }
0x2a: {  	p0 =	seq.s32 s5, $0x0;
	s5 =	sld [smem:$0x3FAB]  }
0x2b: {  	s6 =	sld [smem:$0x3FAC]  }
0x2c: {  	s7 =	sld [smem:$0x3FAD]  }
0x2d: {  	s3 =	simm.s32 $0x108;
	s8 =	sld [smem:$0x3FAE]  }
0x2e: {  	s3 =	simm.s32 @!p0 $0x1082;
	s9 =	sld [smem:$0x3FAF]  }
0x2f: {  	lr =	sadd.s32 s0, s3;
	s0 =	sld [smem:$0x3FA6]  }
0x30: {  	s3 =	sld [smem:$0x3FA9]  }
0x31: {  	[smem:$0x3FB2] =	sst s10  }
0x32: {  	s10 =	sld [smem:$0x3FB0];
	_ =	sdelay $0x3  }
0x33: {  	p0 =	seq.s32 s10, $0x1;
	s10 =	sld [smem:$0x3FB2];
	_ =	sdelay $0x3  }
0x34: {  	[smem:$0x3FB2] =	sst s10  }
0x35: {  	s10 =	sld [smem:$0x3FB1];
	_ =	sdelay $0x3  }
0x36: {  	p1 =	seq.s32 s10, $0x1;
	s10 =	sld [smem:$0x3FB2];
	_ =	sdelay $0x3  }
0x37: {  	[smem:$0x3FB2] =	sst s10  }
0x38: {  	s10 =	sld [smem:$0x3FB3]  }
0x39: {  	_ = 	snop;
	(pc) =	sbr.ind lr, $3  }
0x3a: {  	_ = 	snop  }
0x3b: {  	_ = 	snop  }
0x3c: {  	p2 =	seq.s32 s10, $0x1;
	s10 =	sld [smem:$0x3FB2]  }
0x3d: {  	_ =	shalt  }
0x3e: {  	_ =	shalt  }
0x3f: {  	_ =	shalt  }
0x40: {  	_ =	shalt  }
0x41: {  	_ =	shalt  }
0x42: {  	_ =	shalt  }
0x43: {  	_ =	shalt  }
0x44: {  	_ =	shalt  }
0x45: {  	_ =	shalt  }
0x46: {  	_ =	shalt  }
0x47: {  	_ =	shalt  }
0x48: {  	_ =	shalt  }
0x49: {  	_ =	shalt  }
0x4a: {  	_ =	shalt  }
0x4b: {  	_ =	shalt  }
0x4c: {  	_ =	shalt  }
0x4d: {  	_ =	shalt  }
0x4e: {  	_ =	shalt  }
0x4f: {  	_ =	shalt  }
0x50: {  	_ =	shalt  }
0x51: {  	_ =	shalt  }
0x52: {  	_ =	shalt  }
0x53: {  	_ =	shalt  }
0x54: {  	_ =	shalt  }
0x55: {  	_ =	shalt  }
0x56: {  	_ =	shalt  }
0x57: {  	_ =	shalt  }
0x58: {  	_ =	shalt  }
0x59: {  	_ =	shalt  }
0x5a: {  	_ =	shalt  }
0x5b: {  	_ =	shalt  }
0x5c: {  	_ =	shalt  }
0x5d: {  	_ =	shalt  }
0x5e: {  	_ =	shalt  }
0x5f: {  	_ =	shalt  }
0x60: {  	_ =	shalt  }
0x61: {  	_ =	shalt  }
0x62: {  	_ =	shalt  }
0x63: {  	_ =	shalt  }
0x64: {  	_ =	shalt  }
0x65: {  	_ =	shalt  }
0x66: {  	_ =	shalt  }
0x67: {  	_ =	shalt  }
0x68: {  	_ =	shalt  }
0x69: {  	_ =	shalt  }
0x6a: {  	_ =	shalt  }
0x6b: {  	_ =	shalt  }
0x6c: {  	_ =	shalt  }
0x6d: {  	_ =	shalt  }
0x6e: {  	_ =	shalt  }
0x6f: {  	_ =	shalt  }
0x70: {  	_ =	shalt  }
0x71: {  	_ =	shalt  }
0x72: {  	_ =	shalt  }
0x73: {  	_ =	shalt  }
0x74: {  	_ =	shalt  }
0x75: {  	_ =	shalt  }
0x76: {  	_ =	shalt  }
0x77: {  	_ =	shalt  }
0x78: {  	_ =	shalt  }
0x79: {  	_ =	shalt  }
0x7a: {  	_ =	shalt  }
0x7b: {  	_ =	shalt  }
0x7c: {  	_ =	shalt  }
0x7d: {  	_ =	shalt  }
0x7e: {  	_ =	shalt  }
0x7f: {  	_ =	shalt  }
0x80: {  	_ =	shalt  }
0x81: {  	_ =	shalt  }
0x82: {  	_ =	shalt  }
0x83: {  	_ =	shalt  }
0x84: {  	_ =	shalt  }
0x85: {  	_ =	shalt  }
0x86: {  	_ =	shalt  }
0x87: {  	_ =	shalt  }
.Lfunc_end0:
.L_simem_size_0:
called_computation_lowered:
.L_overlay_start_0:
0x88: {  	s2 =	sld [smem:$0x3FD9]  }
0x89: {  	s3 =	sld [smem:$0x3FFE];
	_ =	sdelay $0x1  }
0x8a: {  	s1 =	srdreg.scid  }
0x8b: {  	s0 =	sand.u32 $0x1, s1  }
0x8c: {  	s17 =	sshll.u32 s0, $0xA;
	s2 =	sadd.s32 s3, s2  }
0x8d: {  	s2 =	sadd.s32 s2, s17  }
0x8e: {  	[smem:$0x3FBE] =	sst s2  }
0x8f: {  	_ = 	snop  }
0x90: {  	s18 =	sld [smem:$0x3FC9];
	(tm) =	ssettm $0x1  }
0x91: {  	s19 =	sld [smem:$0x3FFB];
	_ =	sdelay $0x3  }
0x92: {  	_ =	strace s19  }
0x93: {  	s2 =	sld [smem:$0x3FFC];
	_ =	sdelay $0x3  }
0x94: {  	_ =	strace s2  }
0x95: {  	s2 =	sld [smem:$0x3FFD];
	_ =	sdelay $0x3  }
0x96: {  	_ =	strace s2  }
0x97: {  	_ =	strace $0x8FFFFFFF  }
0x98: {  	s20 =	sld [smem:$0x3FDB];
	_ =	sdelay $0x1  }
0x99: {  	s4 =	simm.s32 $_scs_section_size  }
0x9a: {  	s5 =	simm.s32 $_size__tile_overlayer_lowered;
	s6 =	simm.s32 $_tile_overlayer_lowered  }
0x9b: {  	s7 =	simm.s32 $0x1BFF;
	s21 =	sshll.u32 s6, $0x1;
	s4 =	sadd.s32 s4, s20  }
0x9c: {  	s22 =	simm.s32 $0x0;
	s5 =	sshll.u32 s5, $0x1;
	s6 =	sadd.s32 s21, s4  }
0x9d: {  	[timem:s22], [sflag:s7] =	dma.local [hbm:s6], s5  }
0x9e: {  	_ =	swait.ge [sflag:s7], s5  }
0x9f: {  	s5 =	ssub.s32 $0x0, s5;
	[sflag:s7] =	ssyncset.done $0x0  }
0xa0: {  	[sflag:s7] =	ssyncadd.s32 s5;
	_ =	sdelay $0x1  }
0xa1: {  	s23 =	simm.s32 $0x1B8B  }
0xa2: {  	_ =	swait.ge [sflag:s23], $0x1  }
0xa3: {  	[sflag:s23] =	ssyncset.done $0x0  }
0xa4: {  	[sflag:s23] =	ssyncadd.s32 $0xFFFFFFFF  }
0xa5: {  	s5 =	sld [smem:$0x0]  }
0xa6: {  	s6 =	sand.u32 $0xFFFFFFFE, s1  }
0xa7: {  	p0 =	sne.s32 s1, s6  }
0xa8: {  	s6 =	sshll.u32 @p0 s6, $0xE  }
0xa9: {  	s6 =	sadd.s32 @p0 $0x11B8D, s6;
	s7 =	sshll.u32 @p0 s5, $0x11  }
0xaa: {  	s6 =	sor.u32 @p0 s7, s6  }
0xab: {  	[sflag:s6] =	ssyncadd.remote.s32 @p0 $0x1;
	_ =	sdelay $0x1  }
0xac: {  	s6 =	simm.s32 @p0 $0x1B8D  }
0xad: {  	_ =	swait.eq @p0 [sflag:s6], $0x1  }
0xae: {  	[sflag:s6] =	ssyncadd.s32 @p0 $0xFFFFFFFF  }
0xaf: {  	s7 =	sshll.u32 @!p0 s1, $0xE  }
0xb0: {  	s7 =	sor.u32 @!p0 $0x4000, s7;
	s6 =	simm.s32 @!p0 $0x1B8D  }
0xb1: {  	s5 =	sshll.u32 @!p0 s5, $0x11;
	s7 =	sadd.s32 @!p0 $0x11B8D, s7;
	_ =	swait.eq @!p0 [sflag:s6], $0x1  }
0xb2: {  	s5 =	sor.u32 @!p0 s5, s7;
	[sflag:s6] =	ssyncadd.s32 @!p0 $0xFFFFFFFF  }
0xb3: {  	s25 =	simm.s32 $0x1B8E;
	s24 =	sld [smem:$0x3FFE];
	[sflag:s5] =	ssyncadd.remote.s32 @!p0 $0x1  }
0xb4: {  	s26 =	simm.s32 $execute0_lowered;
	[smem:$0x3FD2] =	sst s25  }
0xb5: {  	s6 =	sshll.u32 s26, $0x1;
	_ =	strace $0x80000049;
	[dreg:$0x1] =	wrdreg $0xFFFFFFFF  }
0xb6: {  	s28 =	simm.s32 $_size_execute0_lowered;
	s4 =	sadd.s32 s4, s6;
	[dreg:$0x0] =	wrdreg $0x0  }
0xb7: {  	s6 =	sshll.u32 s28, $0x1;
	[dreg:$0x2] =	wrdreg s4  }
0xb8: {  	[dreg:$0x3] =	wrdreg s6  }
0xb9: {  	[dreg:$0x4] =	wrdreg $0xC0  }
0xba: {  	_ =	task [dreg:s22], $0x5FFFF  }
0xbb: {  	[dreg:$0x1] =	wrdreg $0xFFFFFFFF  }
0xbc: {  	[dreg:$0x0] =	wrdreg $0x60  }
0xbd: {  	[dreg:$0x2] =	wrdreg s18  }
0xbe: {  	[dreg:$0x3] =	wrdreg s24  }
0xbf: {  	[dreg:$0x4] =	wrdreg $0x9  }
0xc0: {  	_ =	task.clear_ibuf [dreg:s22], $0x5FFFF;
	_ =	strace $0x90000049  }
0xc1: {  	s29 =	simm.s32 $0x9;
	_ =	strace $0x8000004B  }
0xc2: {  	_ =	swait.ge [sflag:s29], $0x1  }
0xc3: {  	[sflag:s29] =	ssyncadd.s32 $0xFFFFFFFF  }
0xc4: {  	_ =	strace $0x9000004B  }
0xc5: {  	_ =	sfence  }
0xc6: {  	s30 =	sld [smem:$0x0];
	_ =	sdelay $0x2  }
0xc7: {  	s31 =	sshll.u32 s1, $0xD;
	s1 =	sshrl.u32 s1, $0x2  }
0xc8: {  	s4 =	sand.u32 $0x4000, s31;
	s1 =	sadd.s32 s1, s30  }
0xc9: {  	s0 =	sor.u32 s4, s0;
	s1 =	sshll.u32 s1, $0x11  }
0xca: {  	s0 =	sor.u32 s1, s0  }
0xcb: {  	s0 =	sadd.s32 $0x8F2B, s0  }
0xcc: {  	[sflag:s0] =	ssyncadd.remote.s32 $0x1  }
0xcd: {  	_ =	sfence.sel $0xFFFF  }
0xce: {  	[dreg:$0x0] =	wrdreg $0xFFFFFFFF;
	(pc) =	sbr.abs _section_cstart, $3  }
0xcf: {  	[dreg:$0x1] =	wrdreg $0xFFFFFFFF  }
0xd0: {  	_ =	task.clear_ibuf [dreg:s22], $0x2FFFF;
	_ =	strace $0x9FFFFFFF  }
0xd1: {  	(tm) =	ssettm $0x7FFFFFFF  }
tec
execute0_lowered:
.L_overlay_start_1:
0x0: {  	(tag) =	ssettag $0x1  }
0x1: {  	s1 =	srdreg.scid  }
0x2: {  	s0 =	stileid.u32;
	s23 =	sand.u32 $0x1, s1  }
0x3: {  	s31 =	sshll.u32 s0, $0xA;
	s3 =	sshll.u32 s23, $0x9  }
0x4: {  	s2 =	rddreg [dreg:$0x0];
	s15 =	sor.u32 s3, s31  }
0x5: {  	s14 =	rddreg [dreg:$0x1];
	s3 =	simm.s32 $0x0;
	s4 =	sshrl.u32 s15, $0x3  }
0x6: {  	s5 =	simm.s32 $0x9;
	[smem:$0x7FF] =	sst s3;
	s4 =	sadd.s32 s4, s14  }
0x7: {  	s1 =	rddreg [dreg:$0x2];
	_ =	strace $0x8000004A;
	s4 =	sadd.s32 $0x49800, s4  }
0x8: {  	[tilespmem:s3], [sflag:$0x9] =	stream.linear.gather [hbm4b:s4+s3], $0x200, $0x38;
	[tilespmem:$0x10200] =	vst v63  }
0x9: {  	_ =	swait.ge [sflag:s5], $0x200  }
0xa: {  	[sflag:s5] =	ssyncset.done $0x0  }
0xb: {  	s6 =	simm.s32 $0x80;
	s7 =	simm.s32 $0x200;
	[sflag:s5] =	ssyncadd.s32 $0xFFFFFE00  }
0xc: {  	[tilespmem:s7], [sflag:$0x1] =	stream.indirect.gather [hbm4b:s2+s6], $0x80, s3, s6, $0xb8;
	[tilespmem:$0x10200] =	vst v63  }
0xd: {  	s8 =	simm.s32 $0x4200  }
0xe: {  	[tilespmem:s8], [sflag:$0x2] =	stream.indirect.gather [hbm4b:s2+s6], $0x80, s6, s6, $0xb8;
	[tilespmem:$0x10200] =	vst v63  }
0xf: {  	s9 =	simm.s32 $0x100;
	s10 =	simm.s32 $0x8200  }
0x10: {  	[tilespmem:s10], [sflag:$0x3] =	stream.indirect.gather [hbm4b:s2+s6], $0x80, s9, s6, $0xb8;
	[tilespmem:$0x10200] =	vst v63  }
0x11: {  	s11 =	simm.s32 $0x180;
	s12 =	simm.s32 $0xC200;
	s13 =	simm.s32 $0x1  }
0x12: {  	[tilespmem:s12], [sflag:$0x4] =	stream.indirect.gather [hbm4b:s2+s6], $0x80, s11, s6, $0xb8;
	[tilespmem:$0x10200] =	vst v63  }
0x13: {  	s15 =	sshll.u32 s15, $0x4;
	_ =	swait.ge [sflag:s13], $0x4000  }
0x14: {  	s20 =	sadd.s32 s15, s14;
	[sflag:s13] =	ssyncset.done $0x0  }
0x15: {  	s15 =	simm.s32 $0x2;
	s14 =	sadd.s32 $0x4A000, s20;
	[sflag:s13] =	ssyncadd.s32 $0xFFFFC000  }
0x16: {  	[hbm4b:s14+s3] =	stream.linear.scatter [tilespmem:s7], [sflag:$0x5], $0x4000, $0x38;
	[tilespmem:$0x10200] =	vst v63  }
0x17: {  	_ =	swait.ge [sflag:s15], $0x4000  }
0x18: {  	[sflag:s15] =	ssyncset.done $0x0  }
0x19: {  	s17 =	simm.s32 $0x3;
	s16 =	sadd.s32 $0x4A800, s20;
	[sflag:s15] =	ssyncadd.s32 $0xFFFFC000  }
0x1a: {  	[hbm4b:s16+s3] =	stream.linear.scatter [tilespmem:s8], [sflag:$0x6], $0x4000, $0x38;
	[tilespmem:$0x10200] =	vst v63  }
0x1b: {  	_ =	swait.ge [sflag:s17], $0x4000  }
0x1c: {  	[sflag:s17] =	ssyncset.done $0x0  }
0x1d: {  	s19 =	simm.s32 $0x4;
	s18 =	sadd.s32 $0x4B000, s20;
	[sflag:s17] =	ssyncadd.s32 $0xFFFFC000  }
0x1e: {  	[hbm4b:s18+s3] =	stream.linear.scatter [tilespmem:s10], [sflag:$0x7], $0x4000, $0x38;
	[tilespmem:$0x10200] =	vst v63  }
0x1f: {  	_ =	swait.ge [sflag:s19], $0x4000  }
0x20: {  	[sflag:s19] =	ssyncset.done $0x0  }
0x21: {  	s21 =	simm.s32 $0x5;
	s20 =	sadd.s32 $0x4B800, s20;
	[sflag:s19] =	ssyncadd.s32 $0xFFFFC000  }
0x22: {  	[hbm4b:s20+s3] =	stream.linear.scatter [tilespmem:s12], [sflag:$0x8], $0x4000, $0x38;
	[tilespmem:$0x10200] =	vst v63  }
0x23: {  	_ =	swait.ge [sflag:s21], $0x4000  }
0x24: {  	s24 =	ssub.s32 $0x2, s23;
	[sflag:s21] =	ssyncset.done $0x0  }
0x25: {  	s22 =	simm.s32 $0x6;
	s25 =	sshrl.u32 s24, $0x1;
	[sflag:s21] =	ssyncadd.s32 $0xFFFFC000  }
0x26: {  	s24 =	ssub.s32 s24, s25;
	_ =	swait.ge [sflag:s22], $0x4000  }
0x27: {  	s25 =	smax.u32 s24, $0x1;
	[sflag:s22] =	ssyncset.done $0x0  }
0x28: {  	s23 =	simm.s32 $0x7;
	p0 =	sne.s32 s25, $0x1;
	[sflag:s22] =	ssyncadd.s32 $0xFFFFC000  }
.Ltmp0:
0x29: {  	_ =	swait.ge [sflag:s23], $0x4000;
	(pc) =	sbr.rel @!p0 .LBB2_2-.Ltmp0, $4  }
0x2a: {  	[sflag:s23] =	ssyncset.done $0x0  }
0x2b: {  	s24 =	simm.s32 $0x8;
	[sflag:s23] =	ssyncadd.s32 $0xFFFFC000  }
0x2c: {  	_ =	swait.ge [sflag:s24], $0x4000  }
0x2d: {  	s25 =	sadd.s32 $0xFFFFFFFF, s25;
	[sflag:s24] =	ssyncset.done $0x0  }
.LBB2_1:
0x2e: {  	p0 =	sne.s32 s25, $0x1;
	s25 =	sadd.s32 $0xFFFFFFFF, s25;
	[sflag:s24] =	ssyncadd.s32 $0xFFFFC000  }
0x2f: {  	[tilespmem:s3], [sflag:$0x9] =	stream.linear.gather [hbm4b:s4+s3], $0x200, $0x38;
	[tilespmem:$0x10200] =	vst v63  }
0x30: {  	_ =	swait.ge [sflag:s5], $0x200  }
0x31: {  	[sflag:s5] =	ssyncset.done $0x0  }
0x32: {  	[sflag:s5] =	ssyncadd.s32 $0xFFFFFE00  }
0x33: {  	[tilespmem:s7], [sflag:$0x1] =	stream.indirect.gather [hbm4b:s2+s6], $0x80, s3, s6, $0xb8;
	[tilespmem:$0x10200] =	vst v63  }
0x34: {  	_ = 	snop  }
0x35: {  	[tilespmem:s8], [sflag:$0x2] =	stream.indirect.gather [hbm4b:s2+s6], $0x80, s6, s6, $0xb8;
	[tilespmem:$0x10200] =	vst v63  }
0x36: {  	_ = 	snop  }
0x37: {  	[tilespmem:s10], [sflag:$0x3] =	stream.indirect.gather [hbm4b:s2+s6], $0x80, s9, s6, $0xb8;
	[tilespmem:$0x10200] =	vst v63  }
0x38: {  	_ = 	snop  }
0x39: {  	[tilespmem:s12], [sflag:$0x4] =	stream.indirect.gather [hbm4b:s2+s6], $0x80, s11, s6, $0xb8;
	[tilespmem:$0x10200] =	vst v63  }
0x3a: {  	_ =	swait.ge [sflag:s13], $0x4000  }
0x3b: {  	[sflag:s13] =	ssyncset.done $0x0  }
0x3c: {  	[sflag:s13] =	ssyncadd.s32 $0xFFFFC000  }
0x3d: {  	[hbm4b:s14+s3] =	stream.linear.scatter [tilespmem:s7], [sflag:$0x5], $0x4000, $0x38;
	[tilespmem:$0x10200] =	vst v63  }
0x3e: {  	_ =	swait.ge [sflag:s15], $0x4000  }
0x3f: {  	[sflag:s15] =	ssyncset.done $0x0  }
0x40: {  	[sflag:s15] =	ssyncadd.s32 $0xFFFFC000  }
0x41: {  	[hbm4b:s16+s3] =	stream.linear.scatter [tilespmem:s8], [sflag:$0x6], $0x4000, $0x38;
	[tilespmem:$0x10200] =	vst v63  }
0x42: {  	_ =	swait.ge [sflag:s17], $0x4000  }
0x43: {  	[sflag:s17] =	ssyncset.done $0x0  }
0x44: {  	[sflag:s17] =	ssyncadd.s32 $0xFFFFC000  }
0x45: {  	[hbm4b:s18+s3] =	stream.linear.scatter [tilespmem:s10], [sflag:$0x7], $0x4000, $0x38;
	[tilespmem:$0x10200] =	vst v63  }
0x46: {  	_ =	swait.ge [sflag:s19], $0x4000  }
0x47: {  	[sflag:s19] =	ssyncset.done $0x0  }
0x48: {  	[sflag:s19] =	ssyncadd.s32 $0xFFFFC000  }
0x49: {  	[hbm4b:s20+s3] =	stream.linear.scatter [tilespmem:s12], [sflag:$0x8], $0x4000, $0x38;
	[tilespmem:$0x10200] =	vst v63  }
0x4a: {  	_ =	swait.ge [sflag:s21], $0x4000  }
0x4b: {  	[sflag:s21] =	ssyncset.done $0x0  }
0x4c: {  	[sflag:s21] =	ssyncadd.s32 $0xFFFFC000  }
0x4d: {  	_ =	swait.ge [sflag:s22], $0x4000  }
0x4e: {  	[sflag:s22] =	ssyncset.done $0x0  }
0x4f: {  	[sflag:s22] =	ssyncadd.s32 $0xFFFFC000  }
.Ltmp1:
0x50: {  	_ =	swait.ge [sflag:s23], $0x4000;
	(pc) =	sbr.rel @p0 .LBB2_1-.Ltmp1, $4  }
0x51: {  	[sflag:s23] =	ssyncset.done $0x0  }
0x52: {  	[sflag:s23] =	ssyncadd.s32 $0xFFFFC000  }
0x53: {  	_ =	swait.ge [sflag:s24], $0x4000  }
0x54: {  	[sflag:s24] =	ssyncset.done $0x0  }
.LBB2_2:
0x55: {  	[sflag:s24] =	ssyncadd.s32 $0xFFFFC000  }
0x56: {  	_ =	sfence.sel $0x180000  }
0x57: {  	[bflag:$0x0] =	sbarrier.arrive $0xFFFF  }
0x58: {  	p0 =	sne.s32 s0, $0x0;
	_ =	strace $0x9000004A  }
0x59: {  	s0 =	sadd.s32 @!p0 $0x100000, s1;
	[bflag:$0x2] =	sbarrier.arrive $0xFFFF  }
0x5a: {  	[sflag:s0] =	ssyncadd.tile.s32 @!p0 $0x1;
	_ =	shalt  }
.Lfunc_end2:
_tile_overlayer_lowered:
.L_overlay_start_2:
0x5b: {  	(tag) =	ssettag $0x2  }
0x5c: {  	s0 =	rddreg [dreg:$0x0];
	s2 =	stileid.u32  }
0x5d: {  	s1 =	rddreg [dreg:$0x1];
	p0 =	sne.s32 s2, $0x0  }
0x5e: {  	s3 =	rddreg [dreg:$0x2];
	[bflag:$0x3] =	sbarrier.arrive $0xFFFF;
	s2 =	simm.s32 @!p0 $0x1C09  }
0x5f: {  	[timem:s3], [sflag:s2] =	dma.local @!p0 [hbm:s0], s1  }
0x60: {  	s0 =	simm.s32 @!p0 $0x9  }
0x61: {  	_ =	swait.ge @!p0 [sflag:s0], s1  }
0x62: {  	s1 =	ssub.s32 @!p0 $0x0, s1;
	[sflag:s0] =	ssyncset.done @!p0 $0x0  }
0x63: {  	[sflag:s0] =	ssyncadd.s32 @!p0 s1  }
0x64: {  	[bflag:$0x3] =	sbarrier.arrive $0xFFFF  }
0x65: {  	_ =	shalt  }

</sc_bundles>
